<compile_context>
chip_gen: v7x
topology: tpu7x:2x2x1
jax: 0.10.2.dev20260603
libtpu: 0.0.44.dev20260713+nightly
codegen_flags: <defaults>
</compile_context>

<pallas_src>
import functools

import jax
import jax.numpy as jnp
from jax import lax
from jax.experimental import pallas as pl
from jax.experimental.pallas import tpu as pltpu
from jax.experimental.pallas import tpu_sc as plsc

_NUM_TOKENS = 32768
_INPUT_SIZE = 768
_NUM_EXPERTS = 8
_BALANCE_LOSS_WEIGHT = 0.1
_BLOCK = 4096

_LANES = 16
_NUM_SUBCORES = 16
_CHUNK = _NUM_TOKENS // _NUM_SUBCORES
_VECS = _CHUNK // _LANES


def _gate_kernel(x_ref, w1_ref, w2_ref,
                 idx_ref, score_ref, imp_ref):
    i = pl.program_id(0)
    nsteps = pl.num_programs(0)

    x = x_ref[...]
    w1 = w1_ref[...]
    w2 = w2_ref[...]

    ht = jnp.tanh(jax.lax.dot_general(
        w1, x, (((1,), (1,)), ((), ())),
        preferred_element_type=jnp.float32))
    logits = jax.lax.dot_general(
        w2, ht, (((1,), (0,)), ((), ())),
        preferred_element_type=jnp.float32)

    m = jnp.max(logits, axis=0, keepdims=True)
    iota = jax.lax.broadcasted_iota(jnp.int32, logits.shape, 0)
    idx = jnp.min(jnp.where(logits == m, iota, _NUM_EXPERTS), axis=0)
    idx_ref[...] = idx
    score_ref[...] = m[0]

    e = jnp.exp(logits - m)
    scores = e / jnp.sum(e, axis=0, keepdims=True)
    imp_part = jax.lax.dot_general(
        jnp.ones((1, scores.shape[1]), jnp.float32), scores,
        (((1,), (1,)), ((), ())),
        preferred_element_type=jnp.float32)
    imp16 = jnp.concatenate(
        [imp_part, jnp.zeros((1, _LANES - _NUM_EXPERTS), jnp.float32)],
        axis=1)[0]

    @pl.when(i == 0)
    def _init():
        imp_ref[...] = jnp.zeros_like(imp_ref)

    imp_ref[...] += imp16

    @pl.when(i == nsteps - 1)
    def _finalize():
        imp_ref[...] = imp_ref[...] * (1.0 / _NUM_TOKENS)


def _tc_gate(x, W1, W2):
    n_tokens = x.shape[0]
    grid = (n_tokens // _BLOCK,)
    return pl.pallas_call(
        _gate_kernel,
        grid=grid,
        in_specs=[
            pl.BlockSpec((_BLOCK, _INPUT_SIZE), lambda i: (i, 0)),
            pl.BlockSpec((_NUM_EXPERTS, _INPUT_SIZE), lambda i: (0, 0)),
            pl.BlockSpec((_NUM_EXPERTS, _NUM_EXPERTS), lambda i: (0, 0)),
        ],
        out_specs=[
            pl.BlockSpec((_BLOCK,), lambda i: (i,)),
            pl.BlockSpec((_BLOCK,), lambda i: (i,)),
            pl.BlockSpec((_LANES,), lambda i: (0,)),
        ],
        out_shape=[
            jax.ShapeDtypeStruct((n_tokens,), jnp.int32),
            jax.ShapeDtypeStruct((n_tokens,), jnp.float32),
            jax.ShapeDtypeStruct((_LANES,), jnp.float32),
        ],
    )(x, W1, W2)


def _sc_body(idx_hbm, imp_hbm, load_out, loss_out, imp_out,
             idx_v, imp_v, out_v, bins):
    sid = lax.axis_index("s")
    lanes = lax.iota(jnp.int32, _LANES)

    @pl.when(sid == 0)
    def _init_bins():
        for e in range(_NUM_EXPERTS):
            bins[e] = 0

    plsc.subcore_barrier()

    pltpu.sync_copy(idx_hbm.at[pl.ds(sid * _CHUNK, _CHUNK)], idx_v)

    def body(j, accs):
        v = idx_v[pl.ds(j * _LANES, _LANES)]
        return tuple(
            acc + plsc.all_reduce_population_count(v == e)
            for e, acc in enumerate(accs)
        )

    zero = jnp.zeros((_LANES,), jnp.int32)
    accs = lax.fori_loop(0, _VECS, body, (zero,) * _NUM_EXPERTS)

    for e in range(_NUM_EXPERTS):
        cnt_e = jnp.sum(accs[e], axis=0) // _LANES
        plsc.fetch_and_add(bins.at[e], cnt_e, subcore_id=0)

    plsc.subcore_barrier()

    @pl.when(sid == 0)
    def _finalize():
        total = jnp.zeros((_LANES,), jnp.int32)
        for e in range(_NUM_EXPERTS):
            total = total + jnp.where(
                lanes == e, jnp.full((_LANES,), bins[e], jnp.int32), 0)
        load_mean = total.astype(jnp.float32) * (1.0 / _NUM_TOKENS)
        out_v[...] = load_mean
        pltpu.sync_copy(out_v.at[pl.ds(0, _NUM_EXPERTS)], load_out)

        pltpu.sync_copy(imp_hbm, imp_v)
        pltpu.sync_copy(imp_v.at[pl.ds(0, _NUM_EXPERTS)], imp_out)
        prod = imp_v[...] * load_mean
        loss = jnp.sum(prod, axis=0) * (_NUM_EXPERTS * _BALANCE_LOSS_WEIGHT)
        out_v[...] = jnp.full((_LANES,), loss, jnp.float32)
        pltpu.sync_copy(out_v.at[pl.ds(0, _NUM_EXPERTS)], loss_out)


def _sc_router_stats(idx, imp16):
    wrapped = functools.partial(
        pl.kernel,
        mesh=plsc.VectorSubcoreMesh(
            core_axis_name="c", subcore_axis_name="s", num_cores=1),
        compiler_params=pltpu.CompilerParams(needs_layout_passes=False),
        out_type=[
            jax.ShapeDtypeStruct((_NUM_EXPERTS,), jnp.float32),
            jax.ShapeDtypeStruct((_NUM_EXPERTS,), jnp.float32),
            jax.ShapeDtypeStruct((_NUM_EXPERTS,), jnp.float32),
        ],
        scratch_types=[
            pltpu.VMEM((_CHUNK,), jnp.int32),
            pltpu.VMEM((_LANES,), jnp.float32),
            pltpu.VMEM((_LANES,), jnp.float32),
            pltpu.SMEM((_NUM_EXPERTS,), jnp.int32),
        ],
    )(_sc_body)
    return wrapped(idx, imp16)


def kernel(x, W1, W2):
    idx, score, imp16 = _tc_gate(x, W1, W2)
    load_mean, loss8, imp_mean = _sc_router_stats(idx, imp16)
    return (idx, score, loss8[0], load_mean, imp_mean)

# --- scband reference (transcript-rebuilt; emitter-appended) ---
"""Pipeline reference for scband-switch-balanced-gate-13615046328977 (READ-ONLY COPY).

The authoritative reference and input builder live on the scoring server;
editing this copy changes nothing except your own understanding.
"""

import jax, jax.numpy as jnp
import numpy as np

NUM_TOKENS = 32768
INPUT_SIZE = 768
NUM_EXPERTS = 8
BALANCE_LOSS_WEIGHT = 0.1


def setup_inputs(seed: int = 0) -> dict:
    key = jax.random.key(seed)
    k1, k2, k3 = jax.random.split(key, 3)
    x = jax.random.normal(k1, (NUM_TOKENS, INPUT_SIZE), dtype=jnp.float32)
    # mlp gate network: Linear(input_size -> E, no bias) -> Tanh -> Linear(E -> E, no bias)
    W1 = jax.random.normal(k2, (NUM_EXPERTS, INPUT_SIZE), dtype=jnp.float32) * (1.0 / np.sqrt(INPUT_SIZE))
    W2 = jax.random.normal(k3, (NUM_EXPERTS, NUM_EXPERTS), dtype=jnp.float32) * (1.0 / np.sqrt(NUM_EXPERTS))
    return {"x": x, "W1": W1, "W2": W2}


def reference(x, W1, W2):
    batch_size = x.shape[0]
    # gate_network (mlp): logits = W2 @ tanh(W1 @ x)
    logits = jnp.tanh(x @ W1.T) @ W2.T
    # use_softmax=True
    scores = jax.nn.softmax(logits, axis=1)
    # add_noise=False -> logits_w_noise = logits
    logits_w_noise = logits
    top1_scores = jnp.max(logits_w_noise, axis=1)
    top1_indices = jnp.argmax(logits_w_noise, axis=1)
    # balance loss
    importance_mean = jnp.mean(scores, axis=0)
    load = jnp.bincount(top1_indices, minlength=NUM_EXPERTS, length=NUM_EXPERTS)
    load_mean = load.astype(jnp.float32) / batch_size
    balance_loss = NUM_EXPERTS * jnp.sum(importance_mean * load_mean)
    balance_loss = balance_loss * BALANCE_LOSS_WEIGHT
    return (top1_indices, top1_scores, balance_loss, load_mean, importance_mean)

if __name__ == "__main__":
    import jax
    _d = setup_inputs()
    print(jax.jit(kernel)(*tuple(_d.values())))

</pallas_src>

<mosaic_0001>
#map = affine_map<(d0, d1) -> (0)>
module attributes {stable_mosaic.version = 14 : i64} {
  func.func @_sc_body(%arg0: i32, %arg1: i32, %arg2: memref<32768xi32, #tpu.memory_space<hbm>>, %arg3: memref<16xf32, #tpu.memory_space<hbm>>, %arg4: memref<8xf32, #tpu.memory_space<hbm>>, %arg5: memref<8xf32, #tpu.memory_space<hbm>>, %arg6: memref<8xf32, #tpu.memory_space<hbm>>, %arg7: memref<2048xi32, #tpu.memory_space<vmem>>, %arg8: memref<16xf32, #tpu.memory_space<vmem>>, %arg9: memref<16xf32, #tpu.memory_space<vmem>>, %arg10: memref<8xi32, #tpu.memory_space<smem>>) attributes {dimension_semantics = [#tpu.dimension_semantics<core_parallel>, #tpu.dimension_semantics<subcore_parallel>], iteration_bounds = array<i64: 1, 16>, scalar_prefetch = 0 : i64, scratch_operands = 4 : i64, tpu.core_type = #tpu.core_type<sc_vector_subcore>, window_params = [{transform_indices = #map}, {transform_indices = #map}, {transform_indices = #map}, {transform_indices = #map}, {transform_indices = #map}]} {
    %iota3A = tpu.iota {dimensions = array<i32: 0>} : vector<16xi32>
    %eq3A = arith.constant 0 : i32
    %eq3A_0 = arith.cmpi eq, %arg1, %eq3A : i32
    %convert_element_type3A = arith.extui %eq3A_0 : i1 to i32
    %cond3A = arith.constant 0 : i32
    %cond3A_1 = arith.cmpi ne, %convert_element_type3A, %cond3A : i32
    scf.if %cond3A_1 {
      %swap3A = arith.constant 0 : i32
      %swap3A_253 = arith.constant 0 : i32
      %swap3A_254 = arith.index_cast %swap3A_253 : i32 to index
      %swap3A_255 = memref.load %arg10[%swap3A_254] : memref<8xi32, #tpu.memory_space<smem>>
      memref.store %swap3A, %arg10[%swap3A_254] : memref<8xi32, #tpu.memory_space<smem>>
      %swap3A_256 = arith.constant 0 : i32
      %swap3A_257 = arith.constant 1 : i32
      %swap3A_258 = arith.index_cast %swap3A_257 : i32 to index
      %swap3A_259 = memref.load %arg10[%swap3A_258] : memref<8xi32, #tpu.memory_space<smem>>
      memref.store %swap3A_256, %arg10[%swap3A_258] : memref<8xi32, #tpu.memory_space<smem>>
      %swap3A_260 = arith.constant 0 : i32
      %swap3A_261 = arith.constant 2 : i32
      %swap3A_262 = arith.index_cast %swap3A_261 : i32 to index
      %swap3A_263 = memref.load %arg10[%swap3A_262] : memref<8xi32, #tpu.memory_space<smem>>
      memref.store %swap3A_260, %arg10[%swap3A_262] : memref<8xi32, #tpu.memory_space<smem>>
      %swap3A_264 = arith.constant 0 : i32
      %swap3A_265 = arith.constant 3 : i32
      %swap3A_266 = arith.index_cast %swap3A_265 : i32 to index
      %swap3A_267 = memref.load %arg10[%swap3A_266] : memref<8xi32, #tpu.memory_space<smem>>
      memref.store %swap3A_264, %arg10[%swap3A_266] : memref<8xi32, #tpu.memory_space<smem>>
      %swap3A_268 = arith.constant 0 : i32
      %swap3A_269 = arith.constant 4 : i32
      %swap3A_270 = arith.index_cast %swap3A_269 : i32 to index
      %swap3A_271 = memref.load %arg10[%swap3A_270] : memref<8xi32, #tpu.memory_space<smem>>
      memref.store %swap3A_268, %arg10[%swap3A_270] : memref<8xi32, #tpu.memory_space<smem>>
      %swap3A_272 = arith.constant 0 : i32
      %swap3A_273 = arith.constant 5 : i32
      %swap3A_274 = arith.index_cast %swap3A_273 : i32 to index
      %swap3A_275 = memref.load %arg10[%swap3A_274] : memref<8xi32, #tpu.memory_space<smem>>
      memref.store %swap3A_272, %arg10[%swap3A_274] : memref<8xi32, #tpu.memory_space<smem>>
      %swap3A_276 = arith.constant 0 : i32
      %swap3A_277 = arith.constant 6 : i32
      %swap3A_278 = arith.index_cast %swap3A_277 : i32 to index
      %swap3A_279 = memref.load %arg10[%swap3A_278] : memref<8xi32, #tpu.memory_space<smem>>
      memref.store %swap3A_276, %arg10[%swap3A_278] : memref<8xi32, #tpu.memory_space<smem>>
      %swap3A_280 = arith.constant 0 : i32
      %swap3A_281 = arith.constant 7 : i32
      %swap3A_282 = arith.index_cast %swap3A_281 : i32 to index
      %swap3A_283 = memref.load %arg10[%swap3A_282] : memref<8xi32, #tpu.memory_space<smem>>
      memref.store %swap3A_280, %arg10[%swap3A_282] : memref<8xi32, #tpu.memory_space<smem>>
    } else {
    }
    %barrier3A = arith.constant 0 : index
    tpu.barrier barrier_id(%barrier3A)
    %mul3A = arith.constant 2048 : i32
    %mul3A_2 = arith.muli %arg1, %mul3A : i32
    "tpu.region"() ({
      %run_scoped3A = tpu.sem_alloc : memref<!tpu.dma_semaphore, #tpu.memory_space<semaphore_mem>>
      %dma_start3A = tpu.memref_slice %arg2[%mul3A_2] : memref<32768xi32, #tpu.memory_space<hbm>> -> memref<2048xi32, #tpu.memory_space<hbm>>
      %dma_start3A_253 = tpu.memref_slice %arg2[%mul3A_2] : memref<32768xi32, #tpu.memory_space<hbm>> -> memref<2048xi32, #tpu.memory_space<hbm>>
      tpu.enqueue_dma source(%dma_start3A_253 : memref<2048xi32, #tpu.memory_space<hbm>>) target(%arg7 : memref<2048xi32, #tpu.memory_space<vmem>>) target_semaphore(%run_scoped3A : memref<!tpu.dma_semaphore, #tpu.memory_space<semaphore_mem>>)
      %dma_wait3A = tpu.memref_slice %arg2[%mul3A_2] : memref<32768xi32, #tpu.memory_space<hbm>> -> memref<2048xi32, #tpu.memory_space<hbm>>
      %dma_wait3A_254 = tpu.memref_slice %arg2[%mul3A_2] : memref<32768xi32, #tpu.memory_space<hbm>> -> memref<2048xi32, #tpu.memory_space<hbm>>
      tpu.wait_dma2 semaphore(%run_scoped3A : memref<!tpu.dma_semaphore, #tpu.memory_space<semaphore_mem>>) src(%dma_wait3A_254 : memref<2048xi32, #tpu.memory_space<hbm>>) dst(%arg7 : memref<2048xi32, #tpu.memory_space<vmem>>)
      tpu.yield
    }) : () -> ()
    %broadcast_in_dim3A = arith.constant 0 : i32
    %broadcast_in_dim3A_3 = vector.broadcast %broadcast_in_dim3A : i32 to vector<16xi32>
    %scan3A = arith.constant 0 : i32
    %scan3A_4 = arith.constant 128 : i32
    %scan3A_5 = arith.addi %scan3A, %scan3A_4 : i32
    %scan3A_6 = arith.constant 1 : i32
    %scan3A_7:8 = scf.for %scan3A_253 = %scan3A to %scan3A_5 step %scan3A_6 iter_args(%scan3A_254 = %broadcast_in_dim3A_3, %scan3A_255 = %broadcast_in_dim3A_3, %scan3A_256 = %broadcast_in_dim3A_3, %scan3A_257 = %broadcast_in_dim3A_3, %scan3A_258 = %broadcast_in_dim3A_3, %scan3A_259 = %broadcast_in_dim3A_3, %scan3A_260 = %broadcast_in_dim3A_3, %scan3A_261 = %broadcast_in_dim3A_3) -> (vector<16xi32>, vector<16xi32>, vector<16xi32>, vector<16xi32>, vector<16xi32>, vector<16xi32>, vector<16xi32>, vector<16xi32>)  : i32 {
      %mul3A_262 = arith.constant 16 : i32
      %mul3A_263 = arith.muli %scan3A_253, %mul3A_262 : i32
      %get3A = arith.index_cast %mul3A_263 : i32 to index
      %get3A_264 = tpu.vector_load %arg7[%get3A] {strides = array<i32>} : memref<2048xi32, #tpu.memory_space<vmem>>, vector<16xi32>,
      %eq3A_265 = arith.constant 0 : i32
      %eq3A_266 = vector.broadcast %eq3A_265 : i32 to vector<16xi32>
      %eq3A_267 = arith.cmpi eq, %get3A_264, %eq3A_266 : vector<16xi32>
      %all_reduce_population_count3A = tpu.all_reduce %eq3A_267 {dim = 0 : i64, kind = #tpu.reduction_kind<sum>} : vector<16xi1> -> vector<16xi32>
      %add3A = arith.addi %scan3A_254, %all_reduce_population_count3A : vector<16xi32>
      %eq3A_268 = arith.constant 1 : i32
      %eq3A_269 = vector.broadcast %eq3A_268 : i32 to vector<16xi32>
      %eq3A_270 = arith.cmpi eq, %get3A_264, %eq3A_269 : vector<16xi32>
      %all_reduce_population_count3A_271 = tpu.all_reduce %eq3A_270 {dim = 0 : i64, kind = #tpu.reduction_kind<sum>} : vector<16xi1> -> vector<16xi32>
      %add3A_272 = arith.addi %scan3A_255, %all_reduce_population_count3A_271 : vector<16xi32>
      %eq3A_273 = arith.constant 2 : i32
      %eq3A_274 = vector.broadcast %eq3A_273 : i32 to vector<16xi32>
      %eq3A_275 = arith.cmpi eq, %get3A_264, %eq3A_274 : vector<16xi32>
      %all_reduce_population_count3A_276 = tpu.all_reduce %eq3A_275 {dim = 0 : i64, kind = #tpu.reduction_kind<sum>} : vector<16xi1> -> vector<16xi32>
      %add3A_277 = arith.addi %scan3A_256, %all_reduce_population_count3A_276 : vector<16xi32>
      %eq3A_278 = arith.constant 3 : i32
      %eq3A_279 = vector.broadcast %eq3A_278 : i32 to vector<16xi32>
      %eq3A_280 = arith.cmpi eq, %get3A_264, %eq3A_279 : vector<16xi32>
      %all_reduce_population_count3A_281 = tpu.all_reduce %eq3A_280 {dim = 0 : i64, kind = #tpu.reduction_kind<sum>} : vector<16xi1> -> vector<16xi32>
      %add3A_282 = arith.addi %scan3A_257, %all_reduce_population_count3A_281 : vector<16xi32>
      %eq3A_283 = arith.constant 4 : i32
      %eq3A_284 = vector.broadcast %eq3A_283 : i32 to vector<16xi32>
      %eq3A_285 = arith.cmpi eq, %get3A_264, %eq3A_284 : vector<16xi32>
      %all_reduce_population_count3A_286 = tpu.all_reduce %eq3A_285 {dim = 0 : i64, kind = #tpu.reduction_kind<sum>} : vector<16xi1> -> vector<16xi32>
      %add3A_287 = arith.addi %scan3A_258, %all_reduce_population_count3A_286 : vector<16xi32>
      %eq3A_288 = arith.constant 5 : i32
      %eq3A_289 = vector.broadcast %eq3A_288 : i32 to vector<16xi32>
      %eq3A_290 = arith.cmpi eq, %get3A_264, %eq3A_289 : vector<16xi32>
      %all_reduce_population_count3A_291 = tpu.all_reduce %eq3A_290 {dim = 0 : i64, kind = #tpu.reduction_kind<sum>} : vector<16xi1> -> vector<16xi32>
      %add3A_292 = arith.addi %scan3A_259, %all_reduce_population_count3A_291 : vector<16xi32>
      %eq3A_293 = arith.constant 6 : i32
      %eq3A_294 = vector.broadcast %eq3A_293 : i32 to vector<16xi32>
      %eq3A_295 = arith.cmpi eq, %get3A_264, %eq3A_294 : vector<16xi32>
      %all_reduce_population_count3A_296 = tpu.all_reduce %eq3A_295 {dim = 0 : i64, kind = #tpu.reduction_kind<sum>} : vector<16xi1> -> vector<16xi32>
      %add3A_297 = arith.addi %scan3A_260, %all_reduce_population_count3A_296 : vector<16xi32>
      %eq3A_298 = arith.constant 7 : i32
      %eq3A_299 = vector.broadcast %eq3A_298 : i32 to vector<16xi32>
      %eq3A_300 = arith.cmpi eq, %get3A_264, %eq3A_299 : vector<16xi32>
      %all_reduce_population_count3A_301 = tpu.all_reduce %eq3A_300 {dim = 0 : i64, kind = #tpu.reduction_kind<sum>} : vector<16xi1> -> vector<16xi32>
      %add3A_302 = arith.addi %scan3A_261, %all_reduce_population_count3A_301 : vector<16xi32>
      scf.yield %add3A, %add3A_272, %add3A_277, %add3A_282, %add3A_287, %add3A_292, %add3A_297, %add3A_302 : vector<16xi32>, vector<16xi32>, vector<16xi32>, vector<16xi32>, vector<16xi32>, vector<16xi32>, vector<16xi32>, vector<16xi32>
    }
    %scan3A_8 = arith.constant 128 : i32
    %reduce_sum3A = arith.constant true
    %reduce_sum3A_9 = vector.broadcast %reduce_sum3A : i1 to vector<16xi1>
    %reduce_sum3A_10 = tpu.scan <sum>, %scan3A_7#0 masked %reduce_sum3A_9 : vector<16xi32>, vector<16xi1> -> vector<16xi32>
    %reduce_sum3A_11 = vector.extract %reduce_sum3A_10[15] : i32 from vector<16xi32>
    %jit3A = arith.constant 16 : i32
    %div3A = arith.divsi %reduce_sum3A_11, %jit3A : i32
    %sign3A = arith.constant 0 : i32
    %sign3A_12 = arith.cmpi sgt, %reduce_sum3A_11, %sign3A : i32
    %sign3A_13 = arith.extui %sign3A_12 : i1 to i32
    %sign3A_14 = arith.constant 0 : i32
    %sign3A_15 = arith.cmpi slt, %reduce_sum3A_11, %sign3A_14 : i32
    %sign3A_16 = arith.extui %sign3A_15 : i1 to i32
    %sign3A_17 = arith.subi %sign3A_13, %sign3A_16 : i32
    %sign3A_18 = arith.constant 0 : i32
    %sign3A_19 = arith.cmpi sgt, %jit3A, %sign3A_18 : i32
    %sign3A_20 = arith.extui %sign3A_19 : i1 to i32
    %sign3A_21 = arith.constant 0 : i32
    %sign3A_22 = arith.cmpi slt, %jit3A, %sign3A_21 : i32
    %sign3A_23 = arith.extui %sign3A_22 : i1 to i32
    %sign3A_24 = arith.subi %sign3A_20, %sign3A_23 : i32
    %ne3A = arith.cmpi ne, %sign3A_17, %sign3A_24 : i32
    %rem3A = arith.remsi %reduce_sum3A_11, %jit3A : i32
    %ne3A_25 = arith.constant 0 : i32
    %ne3A_26 = arith.cmpi ne, %rem3A, %ne3A_25 : i32
    %and3A = arith.andi %ne3A, %ne3A_26 : i1
    %sub3A = arith.constant 1 : i32
    %sub3A_27 = arith.subi %div3A, %sub3A : i32
    %select_n3A = arith.select %and3A, %sub3A_27, %div3A : i32
    %sc_fetch_and_add3A = arith.constant 0 : i32
    %sc_fetch_and_add3A_28 = arith.constant 0 : i32
    %sc_fetch_and_add3A_29 = tpu.fetch_and_add_sync %arg10[%sc_fetch_and_add3A], %select_n3A, %sc_fetch_and_add3A_28 : memref<8xi32, #tpu.memory_space<smem>>, i32 -> i32
    %reduce_sum3A_30 = arith.constant true
    %reduce_sum3A_31 = vector.broadcast %reduce_sum3A_30 : i1 to vector<16xi1>
    %reduce_sum3A_32 = tpu.scan <sum>, %scan3A_7#1 masked %reduce_sum3A_31 : vector<16xi32>, vector<16xi1> -> vector<16xi32>
    %reduce_sum3A_33 = vector.extract %reduce_sum3A_32[15] : i32 from vector<16xi32>
    %jit3A_34 = arith.constant 16 : i32
    %div3A_35 = arith.divsi %reduce_sum3A_33, %jit3A_34 : i32
    %sign3A_36 = arith.constant 0 : i32
    %sign3A_37 = arith.cmpi sgt, %reduce_sum3A_33, %sign3A_36 : i32
    %sign3A_38 = arith.extui %sign3A_37 : i1 to i32
    %sign3A_39 = arith.constant 0 : i32
    %sign3A_40 = arith.cmpi slt, %reduce_sum3A_33, %sign3A_39 : i32
    %sign3A_41 = arith.extui %sign3A_40 : i1 to i32
    %sign3A_42 = arith.subi %sign3A_38, %sign3A_41 : i32
    %sign3A_43 = arith.constant 0 : i32
    %sign3A_44 = arith.cmpi sgt, %jit3A_34, %sign3A_43 : i32
    %sign3A_45 = arith.extui %sign3A_44 : i1 to i32
    %sign3A_46 = arith.constant 0 : i32
    %sign3A_47 = arith.cmpi slt, %jit3A_34, %sign3A_46 : i32
    %sign3A_48 = arith.extui %sign3A_47 : i1 to i32
    %sign3A_49 = arith.subi %sign3A_45, %sign3A_48 : i32
    %ne3A_50 = arith.cmpi ne, %sign3A_42, %sign3A_49 : i32
    %rem3A_51 = arith.remsi %reduce_sum3A_33, %jit3A_34 : i32
    %ne3A_52 = arith.constant 0 : i32
    %ne3A_53 = arith.cmpi ne, %rem3A_51, %ne3A_52 : i32
    %and3A_54 = arith.andi %ne3A_50, %ne3A_53 : i1
    %sub3A_55 = arith.constant 1 : i32
    %sub3A_56 = arith.subi %div3A_35, %sub3A_55 : i32
    %select_n3A_57 = arith.select %and3A_54, %sub3A_56, %div3A_35 : i32
    %sc_fetch_and_add3A_58 = arith.constant 1 : i32
    %sc_fetch_and_add3A_59 = arith.constant 0 : i32
    %sc_fetch_and_add3A_60 = tpu.fetch_and_add_sync %arg10[%sc_fetch_and_add3A_58], %select_n3A_57, %sc_fetch_and_add3A_59 : memref<8xi32, #tpu.memory_space<smem>>, i32 -> i32
    %reduce_sum3A_61 = arith.constant true
    %reduce_sum3A_62 = vector.broadcast %reduce_sum3A_61 : i1 to vector<16xi1>
    %reduce_sum3A_63 = tpu.scan <sum>, %scan3A_7#2 masked %reduce_sum3A_62 : vector<16xi32>, vector<16xi1> -> vector<16xi32>
    %reduce_sum3A_64 = vector.extract %reduce_sum3A_63[15] : i32 from vector<16xi32>
    %jit3A_65 = arith.constant 16 : i32
    %div3A_66 = arith.divsi %reduce_sum3A_64, %jit3A_65 : i32
    %sign3A_67 = arith.constant 0 : i32
    %sign3A_68 = arith.cmpi sgt, %reduce_sum3A_64, %sign3A_67 : i32
    %sign3A_69 = arith.extui %sign3A_68 : i1 to i32
    %sign3A_70 = arith.constant 0 : i32
    %sign3A_71 = arith.cmpi slt, %reduce_sum3A_64, %sign3A_70 : i32
    %sign3A_72 = arith.extui %sign3A_71 : i1 to i32
    %sign3A_73 = arith.subi %sign3A_69, %sign3A_72 : i32
    %sign3A_74 = arith.constant 0 : i32
    %sign3A_75 = arith.cmpi sgt, %jit3A_65, %sign3A_74 : i32
    %sign3A_76 = arith.extui %sign3A_75 : i1 to i32
    %sign3A_77 = arith.constant 0 : i32
    %sign3A_78 = arith.cmpi slt, %jit3A_65, %sign3A_77 : i32
    %sign3A_79 = arith.extui %sign3A_78 : i1 to i32
    %sign3A_80 = arith.subi %sign3A_76, %sign3A_79 : i32
    %ne3A_81 = arith.cmpi ne, %sign3A_73, %sign3A_80 : i32
    %rem3A_82 = arith.remsi %reduce_sum3A_64, %jit3A_65 : i32
    %ne3A_83 = arith.constant 0 : i32
    %ne3A_84 = arith.cmpi ne, %rem3A_82, %ne3A_83 : i32
    %and3A_85 = arith.andi %ne3A_81, %ne3A_84 : i1
    %sub3A_86 = arith.constant 1 : i32
    %sub3A_87 = arith.subi %div3A_66, %sub3A_86 : i32
    %select_n3A_88 = arith.select %and3A_85, %sub3A_87, %div3A_66 : i32
    %sc_fetch_and_add3A_89 = arith.constant 2 : i32
    %sc_fetch_and_add3A_90 = arith.constant 0 : i32
    %sc_fetch_and_add3A_91 = tpu.fetch_and_add_sync %arg10[%sc_fetch_and_add3A_89], %select_n3A_88, %sc_fetch_and_add3A_90 : memref<8xi32, #tpu.memory_space<smem>>, i32 -> i32
    %reduce_sum3A_92 = arith.constant true
    %reduce_sum3A_93 = vector.broadcast %reduce_sum3A_92 : i1 to vector<16xi1>
    %reduce_sum3A_94 = tpu.scan <sum>, %scan3A_7#3 masked %reduce_sum3A_93 : vector<16xi32>, vector<16xi1> -> vector<16xi32>
    %reduce_sum3A_95 = vector.extract %reduce_sum3A_94[15] : i32 from vector<16xi32>
    %jit3A_96 = arith.constant 16 : i32
    %div3A_97 = arith.divsi %reduce_sum3A_95, %jit3A_96 : i32
    %sign3A_98 = arith.constant 0 : i32
    %sign3A_99 = arith.cmpi sgt, %reduce_sum3A_95, %sign3A_98 : i32
    %sign3A_100 = arith.extui %sign3A_99 : i1 to i32
    %sign3A_101 = arith.constant 0 : i32
    %sign3A_102 = arith.cmpi slt, %reduce_sum3A_95, %sign3A_101 : i32
    %sign3A_103 = arith.extui %sign3A_102 : i1 to i32
    %sign3A_104 = arith.subi %sign3A_100, %sign3A_103 : i32
    %sign3A_105 = arith.constant 0 : i32
    %sign3A_106 = arith.cmpi sgt, %jit3A_96, %sign3A_105 : i32
    %sign3A_107 = arith.extui %sign3A_106 : i1 to i32
    %sign3A_108 = arith.constant 0 : i32
    %sign3A_109 = arith.cmpi slt, %jit3A_96, %sign3A_108 : i32
    %sign3A_110 = arith.extui %sign3A_109 : i1 to i32
    %sign3A_111 = arith.subi %sign3A_107, %sign3A_110 : i32
    %ne3A_112 = arith.cmpi ne, %sign3A_104, %sign3A_111 : i32
    %rem3A_113 = arith.remsi %reduce_sum3A_95, %jit3A_96 : i32
    %ne3A_114 = arith.constant 0 : i32
    %ne3A_115 = arith.cmpi ne, %rem3A_113, %ne3A_114 : i32
    %and3A_116 = arith.andi %ne3A_112, %ne3A_115 : i1
    %sub3A_117 = arith.constant 1 : i32
    %sub3A_118 = arith.subi %div3A_97, %sub3A_117 : i32
    %select_n3A_119 = arith.select %and3A_116, %sub3A_118, %div3A_97 : i32
    %sc_fetch_and_add3A_120 = arith.constant 3 : i32
    %sc_fetch_and_add3A_121 = arith.constant 0 : i32
    %sc_fetch_and_add3A_122 = tpu.fetch_and_add_sync %arg10[%sc_fetch_and_add3A_120], %select_n3A_119, %sc_fetch_and_add3A_121 : memref<8xi32, #tpu.memory_space<smem>>, i32 -> i32
    %reduce_sum3A_123 = arith.constant true
    %reduce_sum3A_124 = vector.broadcast %reduce_sum3A_123 : i1 to vector<16xi1>
    %reduce_sum3A_125 = tpu.scan <sum>, %scan3A_7#4 masked %reduce_sum3A_124 : vector<16xi32>, vector<16xi1> -> vector<16xi32>
    %reduce_sum3A_126 = vector.extract %reduce_sum3A_125[15] : i32 from vector<16xi32>
    %jit3A_127 = arith.constant 16 : i32
    %div3A_128 = arith.divsi %reduce_sum3A_126, %jit3A_127 : i32
    %sign3A_129 = arith.constant 0 : i32
    %sign3A_130 = arith.cmpi sgt, %reduce_sum3A_126, %sign3A_129 : i32
    %sign3A_131 = arith.extui %sign3A_130 : i1 to i32
    %sign3A_132 = arith.constant 0 : i32
    %sign3A_133 = arith.cmpi slt, %reduce_sum3A_126, %sign3A_132 : i32
    %sign3A_134 = arith.extui %sign3A_133 : i1 to i32
    %sign3A_135 = arith.subi %sign3A_131, %sign3A_134 : i32
    %sign3A_136 = arith.constant 0 : i32
    %sign3A_137 = arith.cmpi sgt, %jit3A_127, %sign3A_136 : i32
    %sign3A_138 = arith.extui %sign3A_137 : i1 to i32
    %sign3A_139 = arith.constant 0 : i32
    %sign3A_140 = arith.cmpi slt, %jit3A_127, %sign3A_139 : i32
    %sign3A_141 = arith.extui %sign3A_140 : i1 to i32
    %sign3A_142 = arith.subi %sign3A_138, %sign3A_141 : i32
    %ne3A_143 = arith.cmpi ne, %sign3A_135, %sign3A_142 : i32
    %rem3A_144 = arith.remsi %reduce_sum3A_126, %jit3A_127 : i32
    %ne3A_145 = arith.constant 0 : i32
    %ne3A_146 = arith.cmpi ne, %rem3A_144, %ne3A_145 : i32
    %and3A_147 = arith.andi %ne3A_143, %ne3A_146 : i1
    %sub3A_148 = arith.constant 1 : i32
    %sub3A_149 = arith.subi %div3A_128, %sub3A_148 : i32
    %select_n3A_150 = arith.select %and3A_147, %sub3A_149, %div3A_128 : i32
    %sc_fetch_and_add3A_151 = arith.constant 4 : i32
    %sc_fetch_and_add3A_152 = arith.constant 0 : i32
    %sc_fetch_and_add3A_153 = tpu.fetch_and_add_sync %arg10[%sc_fetch_and_add3A_151], %select_n3A_150, %sc_fetch_and_add3A_152 : memref<8xi32, #tpu.memory_space<smem>>, i32 -> i32
    %reduce_sum3A_154 = arith.constant true
    %reduce_sum3A_155 = vector.broadcast %reduce_sum3A_154 : i1 to vector<16xi1>
    %reduce_sum3A_156 = tpu.scan <sum>, %scan3A_7#5 masked %reduce_sum3A_155 : vector<16xi32>, vector<16xi1> -> vector<16xi32>
    %reduce_sum3A_157 = vector.extract %reduce_sum3A_156[15] : i32 from vector<16xi32>
    %jit3A_158 = arith.constant 16 : i32
    %div3A_159 = arith.divsi %reduce_sum3A_157, %jit3A_158 : i32
    %sign3A_160 = arith.constant 0 : i32
    %sign3A_161 = arith.cmpi sgt, %reduce_sum3A_157, %sign3A_160 : i32
    %sign3A_162 = arith.extui %sign3A_161 : i1 to i32
    %sign3A_163 = arith.constant 0 : i32
    %sign3A_164 = arith.cmpi slt, %reduce_sum3A_157, %sign3A_163 : i32
    %sign3A_165 = arith.extui %sign3A_164 : i1 to i32
    %sign3A_166 = arith.subi %sign3A_162, %sign3A_165 : i32
    %sign3A_167 = arith.constant 0 : i32
    %sign3A_168 = arith.cmpi sgt, %jit3A_158, %sign3A_167 : i32
    %sign3A_169 = arith.extui %sign3A_168 : i1 to i32
    %sign3A_170 = arith.constant 0 : i32
    %sign3A_171 = arith.cmpi slt, %jit3A_158, %sign3A_170 : i32
    %sign3A_172 = arith.extui %sign3A_171 : i1 to i32
    %sign3A_173 = arith.subi %sign3A_169, %sign3A_172 : i32
    %ne3A_174 = arith.cmpi ne, %sign3A_166, %sign3A_173 : i32
    %rem3A_175 = arith.remsi %reduce_sum3A_157, %jit3A_158 : i32
    %ne3A_176 = arith.constant 0 : i32
    %ne3A_177 = arith.cmpi ne, %rem3A_175, %ne3A_176 : i32
    %and3A_178 = arith.andi %ne3A_174, %ne3A_177 : i1
    %sub3A_179 = arith.constant 1 : i32
    %sub3A_180 = arith.subi %div3A_159, %sub3A_179 : i32
    %select_n3A_181 = arith.select %and3A_178, %sub3A_180, %div3A_159 : i32
    %sc_fetch_and_add3A_182 = arith.constant 5 : i32
    %sc_fetch_and_add3A_183 = arith.constant 0 : i32
    %sc_fetch_and_add3A_184 = tpu.fetch_and_add_sync %arg10[%sc_fetch_and_add3A_182], %select_n3A_181, %sc_fetch_and_add3A_183 : memref<8xi32, #tpu.memory_space<smem>>, i32 -> i32
    %reduce_sum3A_185 = arith.constant true
    %reduce_sum3A_186 = vector.broadcast %reduce_sum3A_185 : i1 to vector<16xi1>
    %reduce_sum3A_187 = tpu.scan <sum>, %scan3A_7#6 masked %reduce_sum3A_186 : vector<16xi32>, vector<16xi1> -> vector<16xi32>
    %reduce_sum3A_188 = vector.extract %reduce_sum3A_187[15] : i32 from vector<16xi32>
    %jit3A_189 = arith.constant 16 : i32
    %div3A_190 = arith.divsi %reduce_sum3A_188, %jit3A_189 : i32
    %sign3A_191 = arith.constant 0 : i32
    %sign3A_192 = arith.cmpi sgt, %reduce_sum3A_188, %sign3A_191 : i32
    %sign3A_193 = arith.extui %sign3A_192 : i1 to i32
    %sign3A_194 = arith.constant 0 : i32
    %sign3A_195 = arith.cmpi slt, %reduce_sum3A_188, %sign3A_194 : i32
    %sign3A_196 = arith.extui %sign3A_195 : i1 to i32
    %sign3A_197 = arith.subi %sign3A_193, %sign3A_196 : i32
    %sign3A_198 = arith.constant 0 : i32
    %sign3A_199 = arith.cmpi sgt, %jit3A_189, %sign3A_198 : i32
    %sign3A_200 = arith.extui %sign3A_199 : i1 to i32
    %sign3A_201 = arith.constant 0 : i32
    %sign3A_202 = arith.cmpi slt, %jit3A_189, %sign3A_201 : i32
    %sign3A_203 = arith.extui %sign3A_202 : i1 to i32
    %sign3A_204 = arith.subi %sign3A_200, %sign3A_203 : i32
    %ne3A_205 = arith.cmpi ne, %sign3A_197, %sign3A_204 : i32
    %rem3A_206 = arith.remsi %reduce_sum3A_188, %jit3A_189 : i32
    %ne3A_207 = arith.constant 0 : i32
    %ne3A_208 = arith.cmpi ne, %rem3A_206, %ne3A_207 : i32
    %and3A_209 = arith.andi %ne3A_205, %ne3A_208 : i1
    %sub3A_210 = arith.constant 1 : i32
    %sub3A_211 = arith.subi %div3A_190, %sub3A_210 : i32
    %select_n3A_212 = arith.select %and3A_209, %sub3A_211, %div3A_190 : i32
    %sc_fetch_and_add3A_213 = arith.constant 6 : i32
    %sc_fetch_and_add3A_214 = arith.constant 0 : i32
    %sc_fetch_and_add3A_215 = tpu.fetch_and_add_sync %arg10[%sc_fetch_and_add3A_213], %select_n3A_212, %sc_fetch_and_add3A_214 : memref<8xi32, #tpu.memory_space<smem>>, i32 -> i32
    %reduce_sum3A_216 = arith.constant true
    %reduce_sum3A_217 = vector.broadcast %reduce_sum3A_216 : i1 to vector<16xi1>
    %reduce_sum3A_218 = tpu.scan <sum>, %scan3A_7#7 masked %reduce_sum3A_217 : vector<16xi32>, vector<16xi1> -> vector<16xi32>
    %reduce_sum3A_219 = vector.extract %reduce_sum3A_218[15] : i32 from vector<16xi32>
    %jit3A_220 = arith.constant 16 : i32
    %div3A_221 = arith.divsi %reduce_sum3A_219, %jit3A_220 : i32
    %sign3A_222 = arith.constant 0 : i32
    %sign3A_223 = arith.cmpi sgt, %reduce_sum3A_219, %sign3A_222 : i32
    %sign3A_224 = arith.extui %sign3A_223 : i1 to i32
    %sign3A_225 = arith.constant 0 : i32
    %sign3A_226 = arith.cmpi slt, %reduce_sum3A_219, %sign3A_225 : i32
    %sign3A_227 = arith.extui %sign3A_226 : i1 to i32
    %sign3A_228 = arith.subi %sign3A_224, %sign3A_227 : i32
    %sign3A_229 = arith.constant 0 : i32
    %sign3A_230 = arith.cmpi sgt, %jit3A_220, %sign3A_229 : i32
    %sign3A_231 = arith.extui %sign3A_230 : i1 to i32
    %sign3A_232 = arith.constant 0 : i32
    %sign3A_233 = arith.cmpi slt, %jit3A_220, %sign3A_232 : i32
    %sign3A_234 = arith.extui %sign3A_233 : i1 to i32
    %sign3A_235 = arith.subi %sign3A_231, %sign3A_234 : i32
    %ne3A_236 = arith.cmpi ne, %sign3A_228, %sign3A_235 : i32
    %rem3A_237 = arith.remsi %reduce_sum3A_219, %jit3A_220 : i32
    %ne3A_238 = arith.constant 0 : i32
    %ne3A_239 = arith.cmpi ne, %rem3A_237, %ne3A_238 : i32
    %and3A_240 = arith.andi %ne3A_236, %ne3A_239 : i1
    %sub3A_241 = arith.constant 1 : i32
    %sub3A_242 = arith.subi %div3A_221, %sub3A_241 : i32
    %select_n3A_243 = arith.select %and3A_240, %sub3A_242, %div3A_221 : i32
    %sc_fetch_and_add3A_244 = arith.constant 7 : i32
    %sc_fetch_and_add3A_245 = arith.constant 0 : i32
    %sc_fetch_and_add3A_246 = tpu.fetch_and_add_sync %arg10[%sc_fetch_and_add3A_244], %select_n3A_243, %sc_fetch_and_add3A_245 : memref<8xi32, #tpu.memory_space<smem>>, i32 -> i32
    %barrier3A_247 = arith.constant 0 : index
    tpu.barrier barrier_id(%barrier3A_247)
    %eq3A_248 = arith.constant 0 : i32
    %eq3A_249 = arith.cmpi eq, %arg1, %eq3A_248 : i32
    %convert_element_type3A_250 = arith.extui %eq3A_249 : i1 to i32
    %cond3A_251 = arith.constant 0 : i32
    %cond3A_252 = arith.cmpi ne, %convert_element_type3A_250, %cond3A_251 : i32
    scf.if %cond3A_252 {
      %broadcast_in_dim3A_253 = arith.constant 0 : i32
      %broadcast_in_dim3A_254 = vector.broadcast %broadcast_in_dim3A_253 : i32 to vector<16xi32>
      %eq3A_255 = arith.constant 0 : i32
      %eq3A_256 = vector.broadcast %eq3A_255 : i32 to vector<16xi32>
      %eq3A_257 = arith.cmpi eq, %iota3A, %eq3A_256 : vector<16xi32>
      %get3A = arith.constant 0 : i32
      %get3A_258 = arith.index_cast %get3A : i32 to index
      %get3A_259 = memref.load %arg10[%get3A_258] : memref<8xi32, #tpu.memory_space<smem>>
      %broadcast_in_dim3A_260 = vector.broadcast %get3A_259 : i32 to vector<16xi32>
      %jit3A_261 = arith.constant 0 : i32
      %broadcast_in_dim3A_262 = vector.broadcast %jit3A_261 : i32 to vector<16xi32>
      %select_n3A_263 = arith.select %eq3A_257, %broadcast_in_dim3A_260, %broadcast_in_dim3A_262 : vector<16xi1>, vector<16xi32>
      %add3A = arith.addi %broadcast_in_dim3A_254, %select_n3A_263 : vector<16xi32>
      %eq3A_264 = arith.constant 1 : i32
      %eq3A_265 = vector.broadcast %eq3A_264 : i32 to vector<16xi32>
      %eq3A_266 = arith.cmpi eq, %iota3A, %eq3A_265 : vector<16xi32>
      %get3A_267 = arith.constant 1 : i32
      %get3A_268 = arith.index_cast %get3A_267 : i32 to index
      %get3A_269 = memref.load %arg10[%get3A_268] : memref<8xi32, #tpu.memory_space<smem>>
      %broadcast_in_dim3A_270 = vector.broadcast %get3A_269 : i32 to vector<16xi32>
      %jit3A_271 = arith.constant 0 : i32
      %broadcast_in_dim3A_272 = vector.broadcast %jit3A_271 : i32 to vector<16xi32>
      %select_n3A_273 = arith.select %eq3A_266, %broadcast_in_dim3A_270, %broadcast_in_dim3A_272 : vector<16xi1>, vector<16xi32>
      %add3A_274 = arith.addi %add3A, %select_n3A_273 : vector<16xi32>
      %eq3A_275 = arith.constant 2 : i32
      %eq3A_276 = vector.broadcast %eq3A_275 : i32 to vector<16xi32>
      %eq3A_277 = arith.cmpi eq, %iota3A, %eq3A_276 : vector<16xi32>
      %get3A_278 = arith.constant 2 : i32
      %get3A_279 = arith.index_cast %get3A_278 : i32 to index
      %get3A_280 = memref.load %arg10[%get3A_279] : memref<8xi32, #tpu.memory_space<smem>>
      %broadcast_in_dim3A_281 = vector.broadcast %get3A_280 : i32 to vector<16xi32>
      %jit3A_282 = arith.constant 0 : i32
      %broadcast_in_dim3A_283 = vector.broadcast %jit3A_282 : i32 to vector<16xi32>
      %select_n3A_284 = arith.select %eq3A_277, %broadcast_in_dim3A_281, %broadcast_in_dim3A_283 : vector<16xi1>, vector<16xi32>
      %add3A_285 = arith.addi %add3A_274, %select_n3A_284 : vector<16xi32>
      %eq3A_286 = arith.constant 3 : i32
      %eq3A_287 = vector.broadcast %eq3A_286 : i32 to vector<16xi32>
      %eq3A_288 = arith.cmpi eq, %iota3A, %eq3A_287 : vector<16xi32>
      %get3A_289 = arith.constant 3 : i32
      %get3A_290 = arith.index_cast %get3A_289 : i32 to index
      %get3A_291 = memref.load %arg10[%get3A_290] : memref<8xi32, #tpu.memory_space<smem>>
      %broadcast_in_dim3A_292 = vector.broadcast %get3A_291 : i32 to vector<16xi32>
      %jit3A_293 = arith.constant 0 : i32
      %broadcast_in_dim3A_294 = vector.broadcast %jit3A_293 : i32 to vector<16xi32>
      %select_n3A_295 = arith.select %eq3A_288, %broadcast_in_dim3A_292, %broadcast_in_dim3A_294 : vector<16xi1>, vector<16xi32>
      %add3A_296 = arith.addi %add3A_285, %select_n3A_295 : vector<16xi32>
      %eq3A_297 = arith.constant 4 : i32
      %eq3A_298 = vector.broadcast %eq3A_297 : i32 to vector<16xi32>
      %eq3A_299 = arith.cmpi eq, %iota3A, %eq3A_298 : vector<16xi32>
      %get3A_300 = arith.constant 4 : i32
      %get3A_301 = arith.index_cast %get3A_300 : i32 to index
      %get3A_302 = memref.load %arg10[%get3A_301] : memref<8xi32, #tpu.memory_space<smem>>
      %broadcast_in_dim3A_303 = vector.broadcast %get3A_302 : i32 to vector<16xi32>
      %jit3A_304 = arith.constant 0 : i32
      %broadcast_in_dim3A_305 = vector.broadcast %jit3A_304 : i32 to vector<16xi32>
      %select_n3A_306 = arith.select %eq3A_299, %broadcast_in_dim3A_303, %broadcast_in_dim3A_305 : vector<16xi1>, vector<16xi32>
      %add3A_307 = arith.addi %add3A_296, %select_n3A_306 : vector<16xi32>
      %eq3A_308 = arith.constant 5 : i32
      %eq3A_309 = vector.broadcast %eq3A_308 : i32 to vector<16xi32>
      %eq3A_310 = arith.cmpi eq, %iota3A, %eq3A_309 : vector<16xi32>
      %get3A_311 = arith.constant 5 : i32
      %get3A_312 = arith.index_cast %get3A_311 : i32 to index
      %get3A_313 = memref.load %arg10[%get3A_312] : memref<8xi32, #tpu.memory_space<smem>>
      %broadcast_in_dim3A_314 = vector.broadcast %get3A_313 : i32 to vector<16xi32>
      %jit3A_315 = arith.constant 0 : i32
      %broadcast_in_dim3A_316 = vector.broadcast %jit3A_315 : i32 to vector<16xi32>
      %select_n3A_317 = arith.select %eq3A_310, %broadcast_in_dim3A_314, %broadcast_in_dim3A_316 : vector<16xi1>, vector<16xi32>
      %add3A_318 = arith.addi %add3A_307, %select_n3A_317 : vector<16xi32>
      %eq3A_319 = arith.constant 6 : i32
      %eq3A_320 = vector.broadcast %eq3A_319 : i32 to vector<16xi32>
      %eq3A_321 = arith.cmpi eq, %iota3A, %eq3A_320 : vector<16xi32>
      %get3A_322 = arith.constant 6 : i32
      %get3A_323 = arith.index_cast %get3A_322 : i32 to index
      %get3A_324 = memref.load %arg10[%get3A_323] : memref<8xi32, #tpu.memory_space<smem>>
      %broadcast_in_dim3A_325 = vector.broadcast %get3A_324 : i32 to vector<16xi32>
      %jit3A_326 = arith.constant 0 : i32
      %broadcast_in_dim3A_327 = vector.broadcast %jit3A_326 : i32 to vector<16xi32>
      %select_n3A_328 = arith.select %eq3A_321, %broadcast_in_dim3A_325, %broadcast_in_dim3A_327 : vector<16xi1>, vector<16xi32>
      %add3A_329 = arith.addi %add3A_318, %select_n3A_328 : vector<16xi32>
      %eq3A_330 = arith.constant 7 : i32
      %eq3A_331 = vector.broadcast %eq3A_330 : i32 to vector<16xi32>
      %eq3A_332 = arith.cmpi eq, %iota3A, %eq3A_331 : vector<16xi32>
      %get3A_333 = arith.constant 7 : i32
      %get3A_334 = arith.index_cast %get3A_333 : i32 to index
      %get3A_335 = memref.load %arg10[%get3A_334] : memref<8xi32, #tpu.memory_space<smem>>
      %broadcast_in_dim3A_336 = vector.broadcast %get3A_335 : i32 to vector<16xi32>
      %jit3A_337 = arith.constant 0 : i32
      %broadcast_in_dim3A_338 = vector.broadcast %jit3A_337 : i32 to vector<16xi32>
      %select_n3A_339 = arith.select %eq3A_332, %broadcast_in_dim3A_336, %broadcast_in_dim3A_338 : vector<16xi1>, vector<16xi32>
      %add3A_340 = arith.addi %add3A_329, %select_n3A_339 : vector<16xi32>
      %convert_element_type3A_341 = arith.sitofp %add3A_340 : vector<16xi32> to vector<16xf32>
      %mul3A_342 = arith.constant 3.05175781E-5 : f32
      %mul3A_343 = vector.broadcast %mul3A_342 : f32 to vector<16xf32>
      %mul3A_344 = arith.mulf %convert_element_type3A_341, %mul3A_343 : vector<16xf32>
      %swap3A = arith.constant 0 : index
      %swap3A_345 = tpu.vector_load %arg9[%swap3A] {strides = array<i32>} : memref<16xf32, #tpu.memory_space<vmem>>, vector<16xf32>,
      tpu.vector_store %arg9[%swap3A], %mul3A_344 {strides = array<i32>} : memref<16xf32, #tpu.memory_space<vmem>>, vector<16xf32>,
      "tpu.region"() ({
        %run_scoped3A = tpu.sem_alloc : memref<!tpu.dma_semaphore, #tpu.memory_space<semaphore_mem>>
        %dma_start3A = arith.constant 0 : i32
        %dma_start3A_358 = tpu.memref_slice %arg9[%dma_start3A] : memref<16xf32, #tpu.memory_space<vmem>> -> memref<8xf32, #tpu.memory_space<vmem>>
        %dma_start3A_359 = arith.constant 0 : i32
        %dma_start3A_360 = tpu.memref_slice %arg9[%dma_start3A_359] : memref<16xf32, #tpu.memory_space<vmem>> -> memref<8xf32, #tpu.memory_space<vmem>>
        tpu.enqueue_dma source(%dma_start3A_360 : memref<8xf32, #tpu.memory_space<vmem>>) target(%arg4 : memref<8xf32, #tpu.memory_space<hbm>>) target_semaphore(%run_scoped3A : memref<!tpu.dma_semaphore, #tpu.memory_space<semaphore_mem>>)
        %dma_wait3A = arith.constant 0 : i32
        %dma_wait3A_361 = tpu.memref_slice %arg9[%dma_wait3A] : memref<16xf32, #tpu.memory_space<vmem>> -> memref<8xf32, #tpu.memory_space<vmem>>
        %dma_wait3A_362 = arith.constant 0 : i32
        %dma_wait3A_363 = tpu.memref_slice %arg9[%dma_wait3A_362] : memref<16xf32, #tpu.memory_space<vmem>> -> memref<8xf32, #tpu.memory_space<vmem>>
        tpu.wait_dma2 semaphore(%run_scoped3A : memref<!tpu.dma_semaphore, #tpu.memory_space<semaphore_mem>>) src(%dma_wait3A_363 : memref<8xf32, #tpu.memory_space<vmem>>) dst(%arg4 : memref<8xf32, #tpu.memory_space<hbm>>)
        tpu.yield
      }) : () -> ()
      "tpu.region"() ({
        %run_scoped3A = tpu.sem_alloc : memref<!tpu.dma_semaphore, #tpu.memory_space<semaphore_mem>>
        tpu.enqueue_dma source(%arg3 : memref<16xf32, #tpu.memory_space<hbm>>) target(%arg8 : memref<16xf32, #tpu.memory_space<vmem>>) target_semaphore(%run_scoped3A : memref<!tpu.dma_semaphore, #tpu.memory_space<semaphore_mem>>)
        tpu.wait_dma2 semaphore(%run_scoped3A : memref<!tpu.dma_semaphore, #tpu.memory_space<semaphore_mem>>) src(%arg3 : memref<16xf32, #tpu.memory_space<hbm>>) dst(%arg8 : memref<16xf32, #tpu.memory_space<vmem>>)
        tpu.yield
      }) : () -> ()
      "tpu.region"() ({
        %run_scoped3A = tpu.sem_alloc : memref<!tpu.dma_semaphore, #tpu.memory_space<semaphore_mem>>
        %dma_start3A = arith.constant 0 : i32
        %dma_start3A_358 = tpu.memref_slice %arg8[%dma_start3A] : memref<16xf32, #tpu.memory_space<vmem>> -> memref<8xf32, #tpu.memory_space<vmem>>
        %dma_start3A_359 = arith.constant 0 : i32
        %dma_start3A_360 = tpu.memref_slice %arg8[%dma_start3A_359] : memref<16xf32, #tpu.memory_space<vmem>> -> memref<8xf32, #tpu.memory_space<vmem>>
        tpu.enqueue_dma source(%dma_start3A_360 : memref<8xf32, #tpu.memory_space<vmem>>) target(%arg6 : memref<8xf32, #tpu.memory_space<hbm>>) target_semaphore(%run_scoped3A : memref<!tpu.dma_semaphore, #tpu.memory_space<semaphore_mem>>)
        %dma_wait3A = arith.constant 0 : i32
        %dma_wait3A_361 = tpu.memref_slice %arg8[%dma_wait3A] : memref<16xf32, #tpu.memory_space<vmem>> -> memref<8xf32, #tpu.memory_space<vmem>>
        %dma_wait3A_362 = arith.constant 0 : i32
        %dma_wait3A_363 = tpu.memref_slice %arg8[%dma_wait3A_362] : memref<16xf32, #tpu.memory_space<vmem>> -> memref<8xf32, #tpu.memory_space<vmem>>
        tpu.wait_dma2 semaphore(%run_scoped3A : memref<!tpu.dma_semaphore, #tpu.memory_space<semaphore_mem>>) src(%dma_wait3A_363 : memref<8xf32, #tpu.memory_space<vmem>>) dst(%arg6 : memref<8xf32, #tpu.memory_space<hbm>>)
        tpu.yield
      }) : () -> ()
      %get3A_346 = arith.constant 0 : index
      %get3A_347 = tpu.vector_load %arg8[%get3A_346] {strides = array<i32>} : memref<16xf32, #tpu.memory_space<vmem>>, vector<16xf32>,
      %mul3A_348 = arith.mulf %get3A_347, %mul3A_344 : vector<16xf32>
      %reduce_sum3A_349 = arith.constant true
      %reduce_sum3A_350 = vector.broadcast %reduce_sum3A_349 : i1 to vector<16xi1>
      %reduce_sum3A_351 = tpu.scan <sum>, %mul3A_348 masked %reduce_sum3A_350 : vector<16xf32>, vector<16xi1> -> vector<16xf32>
      %reduce_sum3A_352 = vector.extract %reduce_sum3A_351[15] : f32 from vector<16xf32>
      %mul3A_353 = arith.constant 8.000000e-01 : f32
      %mul3A_354 = arith.mulf %reduce_sum3A_352, %mul3A_353 : f32
      %broadcast_in_dim3A_355 = vector.broadcast %mul3A_354 : f32 to vector<16xf32>
      %swap3A_356 = arith.constant 0 : index
      %swap3A_357 = tpu.vector_load %arg9[%swap3A_356] {strides = array<i32>} : memref<16xf32, #tpu.memory_space<vmem>>, vector<16xf32>,
      tpu.vector_store %arg9[%swap3A_356], %broadcast_in_dim3A_355 {strides = array<i32>} : memref<16xf32, #tpu.memory_space<vmem>>, vector<16xf32>,
      "tpu.region"() ({
        %run_scoped3A = tpu.sem_alloc : memref<!tpu.dma_semaphore, #tpu.memory_space<semaphore_mem>>
        %dma_start3A = arith.constant 0 : i32
        %dma_start3A_358 = tpu.memref_slice %arg9[%dma_start3A] : memref<16xf32, #tpu.memory_space<vmem>> -> memref<8xf32, #tpu.memory_space<vmem>>
        %dma_start3A_359 = arith.constant 0 : i32
        %dma_start3A_360 = tpu.memref_slice %arg9[%dma_start3A_359] : memref<16xf32, #tpu.memory_space<vmem>> -> memref<8xf32, #tpu.memory_space<vmem>>
        tpu.enqueue_dma source(%dma_start3A_360 : memref<8xf32, #tpu.memory_space<vmem>>) target(%arg5 : memref<8xf32, #tpu.memory_space<hbm>>) target_semaphore(%run_scoped3A : memref<!tpu.dma_semaphore, #tpu.memory_space<semaphore_mem>>)
        %dma_wait3A = arith.constant 0 : i32
        %dma_wait3A_361 = tpu.memref_slice %arg9[%dma_wait3A] : memref<16xf32, #tpu.memory_space<vmem>> -> memref<8xf32, #tpu.memory_space<vmem>>
        %dma_wait3A_362 = arith.constant 0 : i32
        %dma_wait3A_363 = tpu.memref_slice %arg9[%dma_wait3A_362] : memref<16xf32, #tpu.memory_space<vmem>> -> memref<8xf32, #tpu.memory_space<vmem>>
        tpu.wait_dma2 semaphore(%run_scoped3A : memref<!tpu.dma_semaphore, #tpu.memory_space<semaphore_mem>>) src(%dma_wait3A_363 : memref<8xf32, #tpu.memory_space<vmem>>) dst(%arg5 : memref<8xf32, #tpu.memory_space<hbm>>)
        tpu.yield
      }) : () -> ()
    } else {
    }
    return
  }
}

module attributes {stable_mosaic.version = 14 : i64} {
  func.func @_gate_kernel(%arg0: i32, %arg1: memref<4096x768xf32, #tpu.memory_space<vmem>>, %arg2: memref<8x768xf32, #tpu.memory_space<vmem>>, %arg3: memref<8x8xf32, #tpu.memory_space<vmem>>, %arg4: memref<4096xi32, #tpu.memory_space<vmem>>, %arg5: memref<4096xf32, #tpu.memory_space<vmem>>, %arg6: memref<16xf32, #tpu.memory_space<vmem>>) attributes {dimension_semantics = [#tpu.dimension_semantics<arbitrary>], iteration_bounds = array<i64: 8>, scalar_prefetch = 0 : i64, scratch_operands = 0 : i64, tpu.core_type = #tpu.core_type<tc>, window_params = [{transform_indices = @transform_0, window_bounds = array<i64: 4096, 768>}, {pipeline_mode = #tpu.pipeline_mode<synchronous>, transform_indices = @transform_1, window_bounds = array<i64: 8, 768>}, {pipeline_mode = #tpu.pipeline_mode<synchronous>, transform_indices = @transform_2, window_bounds = array<i64: 8, 8>}, {transform_indices = @transform_3, window_bounds = array<i64: 4096>}, {transform_indices = @transform_4, window_bounds = array<i64: 4096>}, {pipeline_mode = #tpu.pipeline_mode<synchronous>, transform_indices = @transform_5, window_bounds = array<i64: 16>}]} {
    %get3A = arith.constant 0 : index
    %get3A_0 = arith.constant 0 : index
    %get3A_1 = vector.load %arg1[%get3A, %get3A_0] : memref<4096x768xf32, #tpu.memory_space<vmem>>, vector<4096x768xf32>
    %get3A_2 = arith.constant 0 : index
    %get3A_3 = arith.constant 0 : index
    %get3A_4 = vector.load %arg2[%get3A_2, %get3A_3] : memref<8x768xf32, #tpu.memory_space<vmem>>, vector<8x768xf32>
    %get3A_5 = arith.constant 0 : index
    %get3A_6 = arith.constant 0 : index
    %get3A_7 = vector.load %arg3[%get3A_5, %get3A_6] : memref<8x8xf32, #tpu.memory_space<vmem>>, vector<8x8xf32>
    %dot_general3A = arith.constant dense<0.000000e+00> : vector<8x4096xf32>
    %dot_general3A_8 = tpu.matmul %get3A_4, %get3A_1, %dot_general3A {dimension_numbers = #tpu.dot_dimension_numbers<[1], [1], [0], [0], [0, 0, 1, 0], [], []>, transpose_lhs_hint = false} : vector<8x768xf32>, vector<4096x768xf32>, vector<8x4096xf32> -> vector<8x4096xf32>
    %tanh3A = math.tanh %dot_general3A_8 : vector<8x4096xf32>
    %dot_general3A_9 = arith.constant dense<0.000000e+00> : vector<8x4096xf32>
    %dot_general3A_10 = tpu.matmul %get3A_7, %tanh3A, %dot_general3A_9 {dimension_numbers = #tpu.dot_dimension_numbers<[1], [0], [0], [1], [0, 0, 1, 1], [], []>, transpose_lhs_hint = false} : vector<8x8xf32>, vector<8x4096xf32>, vector<8x4096xf32> -> vector<8x4096xf32>
    %reduce_max3A = arith.constant dense<0xFF800000> : vector<4096xf32>
    %reduce_max3A_11 = vector.multi_reduction <maximumf>, %dot_general3A_10, %reduce_max3A [0] : vector<8x4096xf32> to vector<4096xf32>
    %broadcast_in_dim3A = vector.shape_cast %reduce_max3A_11 : vector<4096xf32> to vector<1x4096xf32>
    %iota3A = tpu.iota {dimensions = array<i32: 0>} : vector<8x4096xi32>
    %eq3A = vector.broadcast %broadcast_in_dim3A : vector<1x4096xf32> to vector<8x4096xf32>
    %eq3A_12 = arith.cmpf oeq, %dot_general3A_10, %eq3A : vector<8x4096xf32>
    %jit3A = arith.constant 8 : i32
    %broadcast_in_dim3A_13 = vector.broadcast %jit3A : i32 to vector<8x4096xi32>
    %select_n3A = arith.select %eq3A_12, %iota3A, %broadcast_in_dim3A_13 : vector<8x4096xi1>, vector<8x4096xi32>
    %reduce_min3A = arith.constant dense<2147483647> : vector<4096xi32>
    %reduce_min3A_14 = vector.multi_reduction <minsi>, %select_n3A, %reduce_min3A [0] : vector<8x4096xi32> to vector<4096xi32>
    %swap3A = arith.constant 0 : index
    %swap3A_15 = vector.load %arg4[%swap3A] : memref<4096xi32, #tpu.memory_space<vmem>>, vector<4096xi32>
    tpu.vector_store %arg4[%swap3A], %reduce_min3A_14 {strides = array<i32>} : memref<4096xi32, #tpu.memory_space<vmem>>, vector<4096xi32>,
    %squeeze3A = vector.shape_cast %broadcast_in_dim3A : vector<1x4096xf32> to vector<4096xf32>
    %swap3A_16 = arith.constant 0 : index
    %swap3A_17 = vector.load %arg5[%swap3A_16] : memref<4096xf32, #tpu.memory_space<vmem>>, vector<4096xf32>
    tpu.vector_store %arg5[%swap3A_16], %squeeze3A {strides = array<i32>} : memref<4096xf32, #tpu.memory_space<vmem>>, vector<4096xf32>,
    %sub3A = vector.broadcast %broadcast_in_dim3A : vector<1x4096xf32> to vector<8x4096xf32>
    %sub3A_18 = arith.subf %dot_general3A_10, %sub3A : vector<8x4096xf32>
    %exp3A = math.exp %sub3A_18 : vector<8x4096xf32>
    %reduce_sum3A = arith.constant dense<0.000000e+00> : vector<4096xf32>
    %reduce_sum3A_19 = vector.multi_reduction <add>, %exp3A, %reduce_sum3A [0] : vector<8x4096xf32> to vector<4096xf32>
    %broadcast_in_dim3A_20 = vector.shape_cast %reduce_sum3A_19 : vector<4096xf32> to vector<1x4096xf32>
    %div3A = vector.broadcast %broadcast_in_dim3A_20 : vector<1x4096xf32> to vector<8x4096xf32>
    %div3A_21 = arith.divf %exp3A, %div3A : vector<8x4096xf32>
    %broadcast_in_dim3A_22 = arith.constant 1.000000e+00 : f32
    %broadcast_in_dim3A_23 = vector.broadcast %broadcast_in_dim3A_22 : f32 to vector<1x4096xf32>
    %dot_general3A_24 = arith.constant dense<0.000000e+00> : vector<1x8xf32>
    %dot_general3A_25 = tpu.matmul %broadcast_in_dim3A_23, %div3A_21, %dot_general3A_24 {dimension_numbers = #tpu.dot_dimension_numbers<[1], [1], [0], [0], [0, 0, 1, 0], [], []>, transpose_lhs_hint = false} : vector<1x4096xf32>, vector<8x4096xf32>, vector<1x8xf32> -> vector<1x8xf32>
    %broadcast_in_dim3A_26 = arith.constant 0.000000e+00 : f32
    %broadcast_in_dim3A_27 = vector.broadcast %broadcast_in_dim3A_26 : f32 to vector<1x8xf32>
    %concatenate3A = tpu.concatenate %dot_general3A_25, %broadcast_in_dim3A_27 in 1 : vector<1x8xf32>, vector<1x8xf32> -> vector<1x16xf32>
    %squeeze3A_28 = vector.shape_cast %concatenate3A : vector<1x16xf32> to vector<16xf32>
    %eq3A_29 = arith.constant 0 : i32
    %eq3A_30 = arith.cmpi eq, %arg0, %eq3A_29 : i32
    %convert_element_type3A = arith.extui %eq3A_30 : i1 to i32
    %cond3A = arith.constant 0 : i32
    %cond3A_31 = arith.cmpi ne, %convert_element_type3A, %cond3A : i32
    scf.if %cond3A_31 {
      %broadcast_in_dim3A_41 = arith.constant 0.000000e+00 : f32
      %broadcast_in_dim3A_42 = vector.broadcast %broadcast_in_dim3A_41 : f32 to vector<16xf32>
      %swap3A_43 = arith.constant 0 : index
      %swap3A_44 = vector.load %arg6[%swap3A_43] : memref<16xf32, #tpu.memory_space<vmem>>, vector<16xf32>
      tpu.vector_store %arg6[%swap3A_43], %broadcast_in_dim3A_42 {strides = array<i32>} : memref<16xf32, #tpu.memory_space<vmem>>, vector<16xf32>,
    } else {
    }
    %get3A_32 = arith.constant 0 : index
    %get3A_33 = vector.load %arg6[%get3A_32] : memref<16xf32, #tpu.memory_space<vmem>>, vector<16xf32>
    %add3A = arith.addf %get3A_33, %squeeze3A_28 : vector<16xf32>
    %swap3A_34 = arith.constant 0 : index
    %swap3A_35 = vector.load %arg6[%swap3A_34] : memref<16xf32, #tpu.memory_space<vmem>>, vector<16xf32>
    tpu.vector_store %arg6[%swap3A_34], %add3A {strides = array<i32>} : memref<16xf32, #tpu.memory_space<vmem>>, vector<16xf32>,
    %eq3A_36 = arith.constant 7 : i32
    %eq3A_37 = arith.cmpi eq, %arg0, %eq3A_36 : i32
    %convert_element_type3A_38 = arith.extui %eq3A_37 : i1 to i32
    %cond3A_39 = arith.constant 0 : i32
    %cond3A_40 = arith.cmpi ne, %convert_element_type3A_38, %cond3A_39 : i32
    scf.if %cond3A_40 {
      %get3A_41 = arith.constant 0 : index
      %get3A_42 = vector.load %arg6[%get3A_41] : memref<16xf32, #tpu.memory_space<vmem>>, vector<16xf32>
      %mul3A = arith.constant 3.05175781E-5 : f32
      %mul3A_43 = vector.broadcast %mul3A : f32 to vector<16xf32>
      %mul3A_44 = arith.mulf %get3A_42, %mul3A_43 : vector<16xf32>
      %swap3A_45 = arith.constant 0 : index
      %swap3A_46 = vector.load %arg6[%swap3A_45] : memref<16xf32, #tpu.memory_space<vmem>>, vector<16xf32>
      tpu.vector_store %arg6[%swap3A_45], %mul3A_44 {strides = array<i32>} : memref<16xf32, #tpu.memory_space<vmem>>, vector<16xf32>,
    } else {
    }
    return
  }
  func.func @transform_0(%arg0: i32) -> (i32, i32) {
    %c0_i32 = arith.constant 0 : i32
    %c0_i32_0 = arith.constant 0 : i32
    return %arg0, %c0_i32 : i32, i32
  }
  func.func @transform_1(%arg0: i32) -> (i32, i32) {
    %c0_i32 = arith.constant 0 : i32
    %c0_i32_0 = arith.constant 0 : i32
    %c0_i32_1 = arith.constant 0 : i32
    return %c0_i32, %c0_i32_0 : i32, i32
  }
  func.func @transform_2(%arg0: i32) -> (i32, i32) {
    %c0_i32 = arith.constant 0 : i32
    %c0_i32_0 = arith.constant 0 : i32
    %c0_i32_1 = arith.constant 0 : i32
    return %c0_i32, %c0_i32_0 : i32, i32
  }
  func.func @transform_3(%arg0: i32) -> i32 {
    %c0_i32 = arith.constant 0 : i32
    return %arg0 : i32
  }
  func.func @transform_4(%arg0: i32) -> i32 {
    %c0_i32 = arith.constant 0 : i32
    return %arg0 : i32
  }
  func.func @transform_5(%arg0: i32) -> i32 {
    %c0_i32 = arith.constant 0 : i32
    %c0_i32_0 = arith.constant 0 : i32
    return %c0_i32 : i32
  }
}

</mosaic_0001>

<sc_bundles>
// kernel: kernel.4.cloned.1.call-start
scs
__scs_entry_jumppad:
0x0: {  	(pc) =	sbr.rel $0x88, $3  }
0x1: {  	(tag) =	ssettag $0x0;
	lr =	simm.s32 $0x1  }
0x2: {  	[smem:$0x3F9E] =	sst lr;
	_ =	strace $0xD0000000  }
0x3: {  	_ = 	snop  }
0x4: {  	_ = 	snop  }
0x5: {  	_ = 	snop  }
0x6: {  	_ = 	snop  }
0x7: {  	_ = 	snop  }
__scs_overlays_trampoline_lowered:
0x8: {  	[smem:$0x3FAD] =	sst s0  }
0x9: {  	[smem:$0x3FAE] =	sst s1  }
0xa: {  	[smem:$0x3FAF] =	sst s2  }
0xb: {  	[smem:$0x3FB0] =	sst s3  }
0xc: {  	[smem:$0x3FB1] =	sst s4  }
0xd: {  	[smem:$0x3FB2] =	sst s5  }
0xe: {  	[smem:$0x3FB3] =	sst s6  }
0xf: {  	[smem:$0x3FB4] =	sst s7  }
0x10: {  	[smem:$0x3FB5] =	sst s8  }
0x11: {  	[smem:$0x3FB6] =	sst s9;
	s0 =	simm.s32 @!p0 $0x0  }
0x12: {  	s1 =	sld [smem:$0x3F9C];
	s0 =	simm.s32 @p0 $0x1  }
0x13: {  	[smem:$0x3FB7] =	sst s0;
	s0 =	simm.s32 @!p1 $0x0  }
0x14: {  	s2 =	sld [smem:$0x3F9B];
	s0 =	simm.s32 @p1 $0x1  }
0x15: {  	[smem:$0x3FB8] =	sst s0;
	s0 =	simm.s32 @!p2 $0x0  }
0x16: {  	s3 =	sld [smem:$0x3FDB];
	s0 =	simm.s32 @p2 $0x1  }
0x17: {  	s4 =	simm.s32 $0x1BF5;
	[smem:$0x3FBA] =	sst s0  }
0x18: {  	s0 =	sld [smem:$0x3F9D];
	_ =	swait.ge [sflag:s4], $0x0  }
0x19: {  	s7 =	sld [smem:$0x3F9E]  }
0x1a: {  	s8 =	sadd.s32 $0xFFFFE003, lr  }
0x1b: {  	s9 =	sadd.s32 $0xFFFFFEF7, lr;
	s5 =	simm.s32 $0xFFFFFFFF;
	p2 =	slt.u32 s8, $0xFFFFF086  }
0x1c: {  	p1 =	slt.u32 s9, $0xF7A;
	s5 =	simm.s32 @!p2 $0x0  }
0x1d: {  	s5 =	simm.s32 @p1 $0x1;
	p0 =	seq.s32 s7, s2  }
0x1e: {  	s7 =	smul.u32 @!p0 $0xF7A, s2;
	p2 =	seq.s32 @!p0 s5, $0x0  }
0x1f: {  	s9 =	smul.u32 $0xF7A, s1;
	s8 =	simm.s32 @!p0 $0x1BF5;
	p2 =	por !p2, p0  }
0x20: {  	[sflag:s8] =	ssyncset.s32 @!p0 $0xFFFFF086;
	s6 =	sadd.s32 @!p0 s3, s7;
	s7 =	simm.s32 @!p0 $0x108  }
0x21: {  	s3 =	sadd.s32 s3, s9;
	s6 =	sadd.s32 @!p0 $0x88, s6;
	s7 =	simm.s32 @p2 $0x1082  }
0x22: {  	[simem:s7], [sflag:s8] =	dma.local @!p0 [hbm:s6], $0xF7A  }
0x23: {  	s9 =	sor.u32 $0xD0000000, s2;
	s6 =	simm.s32 $0x108;
	_ =	swait.ge @!p0 [sflag:s8], $0x0  }
0x24: {  	s3 =	sadd.s32 $0x88, s3;
	s6 =	simm.s32 @!p1 $0x1082;
	[sflag:s4] =	ssyncset.s32 $0xFFFFF086  }
0x25: {  	[simem:s6], [sflag:s4] =	dma.local [hbm:s3], $0xF7A  }
0x26: {  	[smem:$0x3F9E] =	sst s1;
	(tag) =	ssettag s2;
	_ =	strace s9  }
0x27: {  	s1 =	sld [smem:$0x3FAE]  }
0x28: {  	s2 =	sld [smem:$0x3FAF]  }
0x29: {  	s4 =	sld [smem:$0x3FB1]  }
0x2a: {  	p0 =	seq.s32 s5, $0x0;
	s5 =	sld [smem:$0x3FB2]  }
0x2b: {  	s6 =	sld [smem:$0x3FB3]  }
0x2c: {  	s7 =	sld [smem:$0x3FB4]  }
0x2d: {  	s3 =	simm.s32 $0x108;
	s8 =	sld [smem:$0x3FB5]  }
0x2e: {  	s3 =	simm.s32 @!p0 $0x1082;
	s9 =	sld [smem:$0x3FB6]  }
0x2f: {  	lr =	sadd.s32 s0, s3;
	s0 =	sld [smem:$0x3FAD]  }
0x30: {  	s3 =	sld [smem:$0x3FB0]  }
0x31: {  	[smem:$0x3FB9] =	sst s10  }
0x32: {  	s10 =	sld [smem:$0x3FB7];
	_ =	sdelay $0x3  }
0x33: {  	p0 =	seq.s32 s10, $0x1;
	s10 =	sld [smem:$0x3FB9];
	_ =	sdelay $0x3  }
0x34: {  	[smem:$0x3FB9] =	sst s10  }
0x35: {  	s10 =	sld [smem:$0x3FB8];
	_ =	sdelay $0x3  }
0x36: {  	p1 =	seq.s32 s10, $0x1;
	s10 =	sld [smem:$0x3FB9];
	_ =	sdelay $0x3  }
0x37: {  	[smem:$0x3FB9] =	sst s10  }
0x38: {  	s10 =	sld [smem:$0x3FBA]  }
0x39: {  	_ = 	snop;
	(pc) =	sbr.ind lr, $3  }
0x3a: {  	_ = 	snop  }
0x3b: {  	_ = 	snop  }
0x3c: {  	p2 =	seq.s32 s10, $0x1;
	s10 =	sld [smem:$0x3FB9]  }
0x3d: {  	_ =	shalt  }
0x3e: {  	_ =	shalt  }
0x3f: {  	_ =	shalt  }
0x40: {  	_ =	shalt  }
0x41: {  	_ =	shalt  }
0x42: {  	_ =	shalt  }
0x43: {  	_ =	shalt  }
0x44: {  	_ =	shalt  }
0x45: {  	_ =	shalt  }
0x46: {  	_ =	shalt  }
0x47: {  	_ =	shalt  }
0x48: {  	_ =	shalt  }
0x49: {  	_ =	shalt  }
0x4a: {  	_ =	shalt  }
0x4b: {  	_ =	shalt  }
0x4c: {  	_ =	shalt  }
0x4d: {  	_ =	shalt  }
0x4e: {  	_ =	shalt  }
0x4f: {  	_ =	shalt  }
0x50: {  	_ =	shalt  }
0x51: {  	_ =	shalt  }
0x52: {  	_ =	shalt  }
0x53: {  	_ =	shalt  }
0x54: {  	_ =	shalt  }
0x55: {  	_ =	shalt  }
0x56: {  	_ =	shalt  }
0x57: {  	_ =	shalt  }
0x58: {  	_ =	shalt  }
0x59: {  	_ =	shalt  }
0x5a: {  	_ =	shalt  }
0x5b: {  	_ =	shalt  }
0x5c: {  	_ =	shalt  }
0x5d: {  	_ =	shalt  }
0x5e: {  	_ =	shalt  }
0x5f: {  	_ =	shalt  }
0x60: {  	_ =	shalt  }
0x61: {  	_ =	shalt  }
0x62: {  	_ =	shalt  }
0x63: {  	_ =	shalt  }
0x64: {  	_ =	shalt  }
0x65: {  	_ =	shalt  }
0x66: {  	_ =	shalt  }
0x67: {  	_ =	shalt  }
0x68: {  	_ =	shalt  }
0x69: {  	_ =	shalt  }
0x6a: {  	_ =	shalt  }
0x6b: {  	_ =	shalt  }
0x6c: {  	_ =	shalt  }
0x6d: {  	_ =	shalt  }
0x6e: {  	_ =	shalt  }
0x6f: {  	_ =	shalt  }
0x70: {  	_ =	shalt  }
0x71: {  	_ =	shalt  }
0x72: {  	_ =	shalt  }
0x73: {  	_ =	shalt  }
0x74: {  	_ =	shalt  }
0x75: {  	_ =	shalt  }
0x76: {  	_ =	shalt  }
0x77: {  	_ =	shalt  }
0x78: {  	_ =	shalt  }
0x79: {  	_ =	shalt  }
0x7a: {  	_ =	shalt  }
0x7b: {  	_ =	shalt  }
0x7c: {  	_ =	shalt  }
0x7d: {  	_ =	shalt  }
0x7e: {  	_ =	shalt  }
0x7f: {  	_ =	shalt  }
0x80: {  	_ =	shalt  }
0x81: {  	_ =	shalt  }
0x82: {  	_ =	shalt  }
0x83: {  	_ =	shalt  }
0x84: {  	_ =	shalt  }
0x85: {  	_ =	shalt  }
0x86: {  	_ =	shalt  }
0x87: {  	_ =	shalt  }
.Lfunc_end0:
.L_simem_size_0:
called_computation_lowered:
.L_overlay_start_0:
0x88: {  	s0 =	sld [smem:$0x3FD9]  }
0x89: {  	s1 =	sld [smem:$0x3FFE];
	_ =	sdelay $0x3  }
0x8a: {  	s0 =	sadd.s32 s1, s0  }
0x8b: {  	[smem:$0x3FC5] =	sst s0  }
0x8c: {  	_ = 	snop  }
0x8d: {  	s0 =	sld [smem:$0x3FD0];
	_ =	sdelay $0x2  }
0x8e: {  	s13 =	simm.s32 $0xA;
	s2 =	simm.s32 $0x10  }
0x8f: {  	[smem:s2], [sflag:s13] =	dma.local [hbm:s0], $0x1  }
0x90: {  	_ =	swait.eq [sflag:s13], $0x1  }
0x91: {  	s14 =	sld [smem:$0x10]  }
0x92: {  	s15 =	sld [smem:$0x12];
	[sflag:s13] =	ssyncset.done $0x0  }
0x93: {  	s3 =	sld [smem:$0x13];
	[sflag:s13] =	ssyncadd.s32 $0xFFFFFFFF  }
0x94: {  	s16 =	sld [smem:$0x14];
	(tm) =	ssettm $0x1  }
0x95: {  	s4 =	sld [smem:$0x3FFB];
	_ =	sdelay $0x3  }
0x96: {  	_ =	strace s4  }
0x97: {  	s4 =	sld [smem:$0x3FFC];
	_ =	sdelay $0x3  }
0x98: {  	_ =	strace s4  }
0x99: {  	s4 =	sld [smem:$0x3FFD];
	_ =	sdelay $0x3  }
0x9a: {  	_ =	strace s4  }
0x9b: {  	_ =	strace $0x8FFFFFFF  }
0x9c: {  	s17 =	sld [smem:$0x3FDB];
	_ =	sdelay $0x1  }
0x9d: {  	s5 =	simm.s32 $_scs_section_size  }
0x9e: {  	s6 =	simm.s32 $_size__tile_overlayer_lowered;
	s7 =	simm.s32 $_tile_overlayer_lowered  }
0x9f: {  	s20 =	simm.s32 $0x1BFF;
	s19 =	sshll.u32 s7, $0x1;
	s4 =	sadd.s32 s5, s17  }
0xa0: {  	s8 =	simm.s32 $0x0;
	s18 =	sshll.u32 s6, $0x1;
	s6 =	sadd.s32 s19, s4  }
0xa1: {  	[timem:s8], [sflag:s20] =	dma.local [hbm:s6], s18  }
0xa2: {  	_ =	swait.ge [sflag:s20], s18  }
0xa3: {  	s5 =	ssub.s32 $0x0, s18;
	[sflag:s20] =	ssyncset.done $0x0  }
0xa4: {  	[sflag:s20] =	ssyncadd.s32 s5;
	_ =	sdelay $0x1  }
0xa5: {  	s21 =	simm.s32 $0x1B8B  }
0xa6: {  	_ =	swait.ge [sflag:s21], $0x1  }
0xa7: {  	[sflag:s21] =	ssyncset.done $0x0  }
0xa8: {  	s23 =	simm.s32 $0x1B8E;
	s22 =	sld [smem:$0x3FFE];
	[sflag:s21] =	ssyncadd.s32 $0xFFFFFFFF  }
0xa9: {  	s24 =	simm.s32 $execute0_lowered;
	[smem:$0x3FD2] =	sst s23  }
0xaa: {  	s6 =	sshll.u32 s24, $0x1;
	_ =	strace $0x80000046;
	[dreg:$0x1] =	wrdreg $0xFFFFFFFF  }
0xab: {  	s25 =	simm.s32 $_size_execute0_lowered;
	s4 =	sadd.s32 s4, s6;
	[dreg:$0x0] =	wrdreg $0x0  }
0xac: {  	s6 =	sshll.u32 s25, $0x1;
	[dreg:$0x2] =	wrdreg s4  }
0xad: {  	[dreg:$0x3] =	wrdreg s6  }
0xae: {  	[dreg:$0x4] =	wrdreg $0xC0  }
0xaf: {  	_ =	task [dreg:s8], $0x5FFFF  }
0xb0: {  	[dreg:$0x1] =	wrdreg $0xFFFFFFFF  }
0xb1: {  	[dreg:$0x0] =	wrdreg $0x60  }
0xb2: {  	[dreg:$0x2] =	wrdreg s14  }
0xb3: {  	[dreg:$0x3] =	wrdreg s22  }
0xb4: {  	[dreg:$0x4] =	wrdreg s3  }
0xb5: {  	[dreg:$0x5] =	wrdreg s15  }
0xb6: {  	[dreg:$0x6] =	wrdreg s16  }
0xb7: {  	[dreg:$0x7] =	wrdreg $0x9  }
0xb8: {  	_ =	task.clear_ibuf [dreg:s8], $0x8FFFF;
	_ =	strace $0x90000046  }
0xb9: {  	s26 =	simm.s32 $0x9;
	_ =	strace $0x80000048  }
0xba: {  	_ =	swait.ge [sflag:s26], $0x1  }
0xbb: {  	[sflag:s26] =	ssyncadd.s32 $0xFFFFFFFF  }
0xbc: {  	_ =	strace $0x90000048  }
0xbd: {  	_ =	sfence  }
0xbe: {  	s28 =	sld [smem:$0x0];
	_ =	sdelay $0x1  }
0xbf: {  	s29 =	srdreg.scid  }
0xc0: {  	s30 =	sshll.u32 s29, $0xD;
	s31 =	sshrl.u32 s29, $0x2  }
0xc1: {  	s1 =	sand.u32 $0x1, s29;
	s2 =	sand.u32 $0x4000, s30;
	s0 =	sadd.s32 s31, s28  }
0xc2: {  	s1 =	sor.u32 s2, s1;
	s0 =	sshll.u32 s0, $0x11  }
0xc3: {  	s0 =	sor.u32 s0, s1  }
0xc4: {  	s0 =	sadd.s32 $0x8F2B, s0  }
0xc5: {  	[sflag:s0] =	ssyncadd.remote.s32 $0x1  }
0xc6: {  	_ =	sfence.sel $0xFFFF  }
0xc7: {  	[dreg:$0x0] =	wrdreg $0xFFFFFFFF;
	(pc) =	sbr.abs _section_cstart, $3  }
0xc8: {  	[dreg:$0x1] =	wrdreg $0xFFFFFFFF  }
0xc9: {  	_ =	task.clear_ibuf [dreg:s8], $0x2FFFF;
	_ =	strace $0x9FFFFFFF  }
0xca: {  	(tm) =	ssettm $0x7FFFFFFF  }
0xcb: {  	_ =	shalt  }
tec
execute0_lowered:
.L_overlay_start_1:
0x0: {  	(tag) =	ssettag $0x1  }
0x1: {  	s4 =	rddreg [dreg:$0x0]  }
0x2: {  	s5 =	rddreg [dreg:$0x1]  }
0x3: {  	s3 =	rddreg [dreg:$0x2]  }
0x4: {  	s1 =	rddreg [dreg:$0x3]  }
0x5: {  	s2 =	rddreg [dreg:$0x4];
	s7 =	stileid.u32  }
0x6: {  	s0 =	rddreg [dreg:$0x5];
	s6 =	simm.s32 $0x0;
	p0 =	sne.s32 s7, $0x0  }
0x7: {  	[smem:$0x7FF] =	sst s6;
	s8 =	simm.s32 @!p0 $0x0  }
0x8: {  	_ =	strace $0x80000047;
	[smem:$0x0] =	sst @!p0 s8  }
0x9: {  	[smem:$0x1] =	sst @!p0 s8  }
0xa: {  	[smem:$0x2] =	sst @!p0 s8  }
0xb: {  	[smem:$0x3] =	sst @!p0 s8  }
0xc: {  	[smem:$0x4] =	sst @!p0 s8  }
0xd: {  	[smem:$0x5] =	sst @!p0 s8  }
0xe: {  	[smem:$0x6] =	sst @!p0 s8  }
0xf: {  	s7 =	sshll.u32 s7, $0x8;
	[smem:$0x7] =	sst @!p0 s8  }
0x10: {  	s29 =	simm.s32 $0x9;
	s4 =	sadd.s32 s4, s7;
	[bflag:$0x0] =	sbarrier.arrive $0xFFFF  }
0x11: {  	[tilespmem:s6], [sflag:$0x9] =	stream.linear.gather [hbm4b:s4+s6], $0x800, $0x38;
	[tilespmem:$0x900] =	vst v63  }
0x12: {  	_ =	swait.ge [sflag:s29], $0x800  }
0x13: {  	[sflag:s29] =	ssyncset.done $0x0  }
0x14: {  	s30 =	simm.s32 $0x0;
	[sflag:s29] =	ssyncadd.s32 $0xFFFFF800  }
0x15: {  	v0 =	vld [tilespmem:s30+$0x0];
	_ =	sdelay $0x2  }
0x16: {  	s31 =	simm.s32 $0x10  }
0x17: {  	v5 =	vld [tilespmem:s31+$0x0]  }
0x18: {  	v1 =	vimm.s32 $0x0;
	vm0 =	veq.s32 v0, $0x0;
	vm1 =	veq.s32 v0, $0x1  }
0x19: {  	vm2 =	veq.s32 v0, $0x7;
	vm3 =	veq.s32 v0, $0x2;
	vm4 =	veq.s32 v0, $0x3  }
0x1a: {  	vm5 =	veq.s32 v0, $0x5;
	vm6 =	veq.s32 v0, $0x6;
	v2 =	vmpcnt.ones.xlane vm2  }
0x1b: {  	vm2 =	veq.s32 v0, $0x4;
	v3 =	vmpcnt.ones.xlane vm0;
	v4 =	vmpcnt.ones.xlane vm1  }
0x1c: {  	v6 =	vmpcnt.ones.xlane vm4;
	v12 =	vmpcnt.ones.xlane vm5;
	vm5 =	veq.s32 v5, $0x1  }
0x1d: {  	vm0 =	veq.s32 v5, $0x7;
	vm4 =	veq.s32 v5, $0x2;
	vm1 =	veq.s32 v5, $0x5  }
0x1e: {  	v11 =	vmpcnt.ones.xlane vm2;
	vm2 =	veq.s32 v5, $0x4;
	v0 =	vadd.s32 v1, v2  }
0x1f: {  	v2 =	vmpcnt.ones.xlane vm3;
	v10 =	vadd.s32 v1, v3;
	v9 =	vadd.s32 v1, v4  }
0x20: {  	v3 =	vmpcnt.ones.xlane vm6;
	v7 =	vadd.s32 v1, v6;
	v4 =	vadd.s32 v1, v12  }
0x21: {  	vm6 =	veq.s32 v5, $0x0;
	v8 =	vadd.s32 v1, v2;
	v2 =	vmpcnt.ones.xlane vm0  }
0x22: {  	s4 =	sadd.s32 $0x1000, s5;
	s6 =	simm.s32 $0x20;
	s5 =	simm.s32 $0xC0;
	vm3 =	veq.s32 v5, $0x3;
	v6 =	vadd.s32 v1, v11;
	vm0 =	veq.s32 v5, $0x6  }
.LBB2_1:
0x23: {  	p1 =	sne.s32 s5, $0x1FC0;
	v5 =	vld [tilespmem:s6+$0x0];
	v11 =	vmpcnt.ones.xlane vm6;
	v12 =	vmpcnt.ones.xlane vm5;
	v0 =	vadd.s32 v0, v2  }
0x24: {  	v2 =	vmpcnt.ones.xlane vm4;
	v13 =	vmpcnt.ones.xlane vm3;
	v1 =	vadd.s32 v1, v3  }
0x25: {  	v14 =	vmpcnt.ones.xlane vm1;
	v10 =	vadd.s32 v10, v11;
	v11 =	vmpcnt.ones.xlane vm2  }
.Ltmp0:
0x26: {  	v3 =	vmpcnt.ones.xlane vm0;
	v9 =	vadd.s32 v9, v12;
	v8 =	vadd.s32 v8, v2;
	(pc) =	sbr.rel @p1 .LBB2_1-.Ltmp0, $4  }
0x27: {  	v7 =	vadd.s32 v7, v13;
	v4 =	vadd.s32 v4, v14;
	v6 =	vadd.s32 v6, v11  }
0x28: {  	vm6 =	veq.s32 v5, $0x0;
	vm5 =	veq.s32 v5, $0x1;
	vm0 =	veq.s32 v5, $0x7  }
0x29: {  	vm4 =	veq.s32 v5, $0x2;
	vm3 =	veq.s32 v5, $0x3;
	v2 =	vmpcnt.ones.xlane vm0  }
0x2a: {  	s6 =	sshra.s32 s5, $0x2;
	s5 =	sadd.s32 $0x40, s5;
	vm2 =	veq.s32 v5, $0x4;
	vm1 =	veq.s32 v5, $0x5;
	vm0 =	veq.s32 v5, $0x6  }
0x2b: {  	v5 =	vld [tilespmem:s6+$0x0];
	_ =	sdelay $0x4  }
0x2c: {  	v11 =	vmpcnt.ones.xlane vm6;
	vm15 =	veq.s32 v5, $0x0  }
0x2d: {  	v12 =	vmpcnt.ones.xlane vm15  }
0x2e: {  	v10 =	vadd.s32 v10, v11  }
0x2f: {  	v10 =	vadd.s32 v10, v12  }
0x30: {  	(xrf0) =	vadd.scan.msk.s32 $0xffff, v10;
	_ =	sdelay $0x5  }
0x31: {  	v10, _, _ =	vpop (xrf0)  }
0x32: {  	(v2sf) =	vpush v10, $0xF;
	_ =	sdelay $0xe  }
0x33: {  	s5 =	spop (v2sf)  }
0x34: {  	s19 =	sand.u32 $0xF, s5  }
0x35: {  	s7 =	sshra.s32 s5, $0x1F;
	p1 =	slt.s32 s5, $0x1;
	p2 =	sne.s32 s19, $0x0  }
0x36: {  	s20 =	sshrl.u32 s7, $0x1C;
	p1 =	por !p1, !p2  }
0x37: {  	s7 =	simm.s32 $0x1;
	s5 =	sadd.s32 s20, s5;
	p1 =	por !p1, !p1  }
0x38: {  	v51 =	vmpcnt.ones.xlane vm5;
	s6 =	simm.s32 $0x1;
	vm9 =	veq.s32 v5, $0x1;
	s5 =	sshra.s32 s5, $0x4;
	s7 =	simm.s32 @!p1 $0x0  }
0x39: {  	[sflag:s6] =	ssyncset.done $0x0;
	v52 =	vmpcnt.ones.xlane vm9;
	s7 =	ssub.s32 s5, s7;
	s5 =	simm.s32 $0x0  }
0x3a: {  	v9 =	vadd.s32 v9, v51;
	[smem:s5], [sflag:$0x1] =	smem.add.s32 s7  }
0x3b: {  	v9 =	vadd.s32 v9, v52;
	_ =	swait.done [sflag:s6]  }
0x3c: {  	(xrf0) =	vadd.scan.msk.s32 $0xffff, v9;
	_ =	sdelay $0x5  }
0x3d: {  	v9, _, _ =	vpop (xrf0)  }
0x3e: {  	(v2sf) =	vpush v9, $0xF;
	_ =	sdelay $0xe  }
0x3f: {  	s21 =	spop (v2sf)  }
0x40: {  	s23 =	simm.s32 $0x2;
	s8 =	sand.u32 $0xF, s21  }
0x41: {  	s9 =	sshra.s32 s21, $0x1F;
	p5 =	slt.s32 s21, $0x1;
	p6 =	sne.s32 s8, $0x0  }
0x42: {  	[sflag:s6] =	ssyncset.s32 $0x0;
	s22 =	sshrl.u32 s9, $0x1C;
	p1 =	por !p5, !p6  }
0x43: {  	s8 =	simm.s32 $0x1;
	s7 =	sadd.s32 s22, s21;
	p1 =	por !p1, !p1  }
0x44: {  	v53 =	vmpcnt.ones.xlane vm4;
	vm10 =	veq.s32 v5, $0x2;
	[sflag:s6] =	ssyncset.done $0x0;
	s7 =	sshra.s32 s7, $0x4;
	s8 =	simm.s32 @!p1 $0x0  }
0x45: {  	v54 =	vmpcnt.ones.xlane vm10;
	[sflag:s23] =	ssyncset.done $0x0;
	s7 =	ssub.s32 s7, s8  }
0x46: {  	v8 =	vadd.s32 v8, v53;
	[smem:s6], [sflag:$0x2] =	smem.add.s32 s7  }
0x47: {  	v8 =	vadd.s32 v8, v54;
	_ =	swait.done [sflag:s23]  }
0x48: {  	(xrf0) =	vadd.scan.msk.s32 $0xffff, v8;
	_ =	sdelay $0x5  }
0x49: {  	v8, _, _ =	vpop (xrf0)  }
0x4a: {  	(v2sf) =	vpush v8, $0xF;
	_ =	sdelay $0xe  }
0x4b: {  	s24 =	spop (v2sf)  }
0x4c: {  	s28 =	simm.s32 $0x3;
	s25 =	sand.u32 $0xF, s24  }
0x4d: {  	s10 =	sshra.s32 s24, $0x1F;
	p3 =	slt.s32 s24, $0x1;
	p4 =	sne.s32 s25, $0x0  }
0x4e: {  	s8 =	simm.s32 $0x1;
	s26 =	sshrl.u32 s10, $0x1C;
	p1 =	por !p3, !p4  }
0x4f: {  	[sflag:s23] =	ssyncset.s32 $0x0;
	s7 =	sadd.s32 s26, s24;
	p1 =	por !p1, !p1  }
0x50: {  	v55 =	vmpcnt.ones.xlane vm3;
	vm11 =	veq.s32 v5, $0x3;
	[sflag:s23] =	ssyncset.done $0x0;
	s7 =	sshra.s32 s7, $0x4;
	s8 =	simm.s32 @!p1 $0x0  }
0x51: {  	v56 =	vmpcnt.ones.xlane vm11;
	[sflag:s28] =	ssyncset.done $0x0;
	s7 =	ssub.s32 s7, s8  }
0x52: {  	v7 =	vadd.s32 v7, v55;
	[smem:s23], [sflag:$0x3] =	smem.add.s32 s7  }
0x53: {  	v7 =	vadd.s32 v7, v56;
	_ =	swait.done [sflag:s28]  }
0x54: {  	(xrf0) =	vadd.scan.msk.s32 $0xffff, v7;
	_ =	sdelay $0x5  }
0x55: {  	v7, _, _ =	vpop (xrf0)  }
0x56: {  	(v2sf) =	vpush v7, $0xF;
	_ =	sdelay $0xe  }
0x57: {  	s29 =	spop (v2sf)  }
0x58: {  	s11 =	simm.s32 $0x4;
	s30 =	sand.u32 $0xF, s29  }
0x59: {  	s31 =	sshra.s32 s29, $0x1F;
	p5 =	slt.s32 s29, $0x1;
	p6 =	sne.s32 s30, $0x0  }
0x5a: {  	s8 =	simm.s32 $0x1;
	s9 =	sshrl.u32 s31, $0x1C;
	p1 =	por !p5, !p6  }
0x5b: {  	[sflag:s28] =	ssyncset.s32 $0x0;
	s7 =	sadd.s32 s9, s29;
	p1 =	por !p1, !p1  }
0x5c: {  	v57 =	vmpcnt.ones.xlane vm2;
	vm12 =	veq.s32 v5, $0x4;
	[sflag:s28] =	ssyncset.done $0x0;
	s7 =	sshra.s32 s7, $0x4;
	s8 =	simm.s32 @!p1 $0x0  }
0x5d: {  	v58 =	vmpcnt.ones.xlane vm12;
	[sflag:s11] =	ssyncset.done $0x0;
	s7 =	ssub.s32 s7, s8  }
0x5e: {  	v6 =	vadd.s32 v6, v57;
	[smem:s28], [sflag:$0x4] =	smem.add.s32 s7  }
0x5f: {  	v6 =	vadd.s32 v6, v58;
	_ =	swait.done [sflag:s11]  }
0x60: {  	(xrf0) =	vadd.scan.msk.s32 $0xffff, v6;
	_ =	sdelay $0x5  }
0x61: {  	v6, _, _ =	vpop (xrf0)  }
0x62: {  	(v2sf) =	vpush v6, $0xF;
	_ =	sdelay $0xe  }
0x63: {  	s12 =	spop (v2sf)  }
0x64: {  	s16 =	simm.s32 $0x5;
	s13 =	sand.u32 $0xF, s12  }
0x65: {  	s14 =	sshra.s32 s12, $0x1F;
	p3 =	slt.s32 s12, $0x1;
	p4 =	sne.s32 s13, $0x0  }
0x66: {  	s8 =	simm.s32 $0x1;
	s15 =	sshrl.u32 s14, $0x1C;
	p1 =	por !p3, !p4  }
0x67: {  	[sflag:s11] =	ssyncset.s32 $0x0;
	s7 =	sadd.s32 s15, s12;
	p1 =	por !p1, !p1  }
0x68: {  	v59 =	vmpcnt.ones.xlane vm1;
	vm13 =	veq.s32 v5, $0x5;
	[sflag:s11] =	ssyncset.done $0x0;
	s7 =	sshra.s32 s7, $0x4;
	s8 =	simm.s32 @!p1 $0x0  }
0x69: {  	v60 =	vmpcnt.ones.xlane vm13;
	[sflag:s16] =	ssyncset.done $0x0;
	s7 =	ssub.s32 s7, s8  }
0x6a: {  	v4 =	vadd.s32 v4, v59;
	[smem:s11], [sflag:$0x5] =	smem.add.s32 s7  }
0x6b: {  	v4 =	vadd.s32 v4, v60;
	_ =	swait.done [sflag:s16]  }
0x6c: {  	(xrf0) =	vadd.scan.msk.s32 $0xffff, v4;
	_ =	sdelay $0x5  }
0x6d: {  	v4, _, _ =	vpop (xrf0)  }
0x6e: {  	(v2sf) =	vpush v4, $0xF;
	_ =	sdelay $0xe  }
0x6f: {  	s17 =	spop (v2sf)  }
0x70: {  	s21 =	simm.s32 $0x6;
	s18 =	sand.u32 $0xF, s17  }
0x71: {  	s19 =	sshra.s32 s17, $0x1F;
	p5 =	slt.s32 s17, $0x1;
	p6 =	sne.s32 s18, $0x0  }
0x72: {  	s8 =	simm.s32 $0x1;
	s20 =	sshrl.u32 s19, $0x1C;
	p1 =	por !p5, !p6  }
0x73: {  	[sflag:s16] =	ssyncset.s32 $0x0;
	s7 =	sadd.s32 s20, s17;
	p1 =	por !p1, !p1  }
0x74: {  	v61 =	vmpcnt.ones.xlane vm0;
	vm14 =	veq.s32 v5, $0x6;
	[sflag:s16] =	ssyncset.done $0x0;
	s7 =	sshra.s32 s7, $0x4;
	s8 =	simm.s32 @!p1 $0x0  }
0x75: {  	v1 =	vadd.s32 v1, v3;
	v62 =	vmpcnt.ones.xlane vm14;
	[sflag:s21] =	ssyncset.done $0x0;
	s7 =	ssub.s32 s7, s8  }
0x76: {  	v1 =	vadd.s32 v1, v61;
	[smem:s16], [sflag:$0x6] =	smem.add.s32 s7  }
0x77: {  	v1 =	vadd.s32 v1, v62;
	_ =	swait.done [sflag:s21]  }
0x78: {  	(xrf0) =	vadd.scan.msk.s32 $0xffff, v1;
	_ =	sdelay $0x5  }
0x79: {  	v1, _, _ =	vpop (xrf0)  }
0x7a: {  	(v2sf) =	vpush v1, $0xF;
	_ =	sdelay $0xe  }
0x7b: {  	s22 =	spop (v2sf)  }
0x7c: {  	s26 =	simm.s32 $0x7;
	s23 =	sand.u32 $0xF, s22  }
0x7d: {  	s24 =	sshra.s32 s22, $0x1F;
	p3 =	slt.s32 s22, $0x1;
	p4 =	sne.s32 s23, $0x0  }
0x7e: {  	s8 =	simm.s32 $0x1;
	s25 =	sshrl.u32 s24, $0x1C;
	p1 =	por !p3, !p4  }
0x7f: {  	[sflag:s21] =	ssyncset.s32 $0x0;
	s7 =	sadd.s32 s25, s22;
	p1 =	por !p1, !p1  }
0x80: {  	vm15 =	veq.s32 v5, $0x7;
	[sflag:s21] =	ssyncset.done $0x0;
	s7 =	sshra.s32 s7, $0x4;
	s8 =	simm.s32 @!p1 $0x0  }
0x81: {  	v63 =	vmpcnt.ones.xlane vm15;
	[sflag:s26] =	ssyncset.done $0x0;
	s7 =	ssub.s32 s7, s8  }
0x82: {  	v0 =	vadd.s32 v0, v2;
	[smem:s21], [sflag:$0x7] =	smem.add.s32 s7  }
0x83: {  	v0 =	vadd.s32 v0, v63;
	_ =	swait.done [sflag:s26]  }
0x84: {  	(xrf0) =	vadd.scan.msk.s32 $0xffff, v0;
	_ =	sdelay $0x5  }
0x85: {  	v0, _, _ =	vpop (xrf0)  }
0x86: {  	(v2sf) =	vpush v0, $0xF;
	_ =	sdelay $0xe  }
0x87: {  	s28 =	spop (v2sf)  }
0x88: {  	s29 =	sand.u32 $0xF, s28  }
0x89: {  	s30 =	sshra.s32 s28, $0x1F;
	p6 =	slt.s32 s28, $0x1;
	p5 =	sne.s32 s29, $0x0  }
0x8a: {  	s31 =	simm.s32 $0x8;
	s8 =	sshrl.u32 s30, $0x1C;
	p1 =	por !p6, !p5  }
0x8b: {  	[sflag:s26] =	ssyncset.s32 $0x0;
	s7 =	sadd.s32 s8, s28;
	p1 =	por !p1, !p1  }
0x8c: {  	[sflag:s26] =	ssyncset.done $0x0;
	s7 =	sshra.s32 s7, $0x4;
	s6 =	simm.s32 @!p1 $0x0  }
0x8d: {  	[sflag:s31] =	ssyncset.done $0x0;
	s6 =	ssub.s32 s7, s6  }
0x8e: {  	[smem:s26], [sflag:$0x8] =	smem.add.s32 s6  }
0x8f: {  	_ =	swait.done [sflag:s31]  }
0x90: {  	[sflag:s31] =	ssyncset.s32 $0x0  }
0x91: {  	[sflag:s31] =	ssyncset.done $0x0  }
0x92: {  	[bflag:$0x0] =	sbarrier.arrive $0xFFFF  }
0x93: {  	_ =	sfence.sel @p0 $0x180000  }
0x94: {  	[bflag:$0x0] =	sbarrier.arrive @p0 $0xFFFF  }
0x95: {  	_ =	strace @p0 $0x90000047  }
0x96: {  	[bflag:$0x2] =	sbarrier.arrive @p0 $0xFFFF  }
0x97: {  	_ =	shalt @p0  }
.LBB2_3:
0x98: {  	s6 =	sld [smem:$0x0]  }
0x99: {  	s7 =	sld [smem:$0x1];
	vm0 =	vcmask $0x300  }
0x9a: {  	s21 =	sld [smem:$0x2];
	vm1 =	vcmask $0x704;
	vm10 =	vcmask $0xB08;
	vm11 =	vcmask $0xF0C  }
0x9b: {  	s22 =	sld [smem:$0x3];
	vm12 =	vcmask $0x1310;
	vm13 =	vcmask $0x1714;
	vm14 =	vcmask $0x1B18  }
0x9c: {  	s23 =	sld [smem:$0x4];
	vm15 =	vcmask $0x1F1C;
	v0 =	vmov s6;
	v1 =	vmov s7  }
0x9d: {  	s24 =	sld [smem:$0x5];
	v54 =	vmov s21;
	v0 =	vnsel vm0, $0x0, v0;
	v1 =	vnsel vm1, $0x0, v1  }
0x9e: {  	s25 =	sld [smem:$0x6];
	v2 =	vmov s22;
	v0 =	vadd.s32 v0, v1;
	v1 =	vnsel vm10, $0x0, v54  }
0x9f: {  	s26 =	sld [smem:$0x7];
	v56 =	vmov s23;
	v55 =	vnsel vm11, $0x0, v2;
	v0 =	vadd.s32 v1, v0  }
0xa0: {  	v57 =	vmov s24;
	v1 =	vnsel vm12, $0x0, v56;
	v0 =	vadd.s32 v55, v0  }
0xa1: {  	v59 =	vmov s25;
	v58 =	vnsel vm13, $0x0, v57;
	v0 =	vadd.s32 v1, v0  }
0xa2: {  	v60 =	vmov s26;
	v1 =	vnsel vm14, $0x0, v59;
	v0 =	vadd.s32 v58, v0  }
0xa3: {  	v61 =	vnsel vm15, $0x0, v60;
	v0 =	vadd.s32 v1, v0  }
0xa4: {  	v0 =	vadd.s32 v61, v0  }
0xa5: {  	v0 =	vcvt.s32.f32 v0;
	_ =	sdelay $0x1  }
0xa6: {  	v0 =	vmul.f32 $3.051757810e-05, v0;
	_ =	sdelay $0x1  }
0xa7: {  	s28 =	simm.s32 $0x880;
	s29 =	simm.s32 $0x9;
	[tilespmem:$0x880] =	vst v0  }
0xa8: {  	[hbm4b:s3+s5] =	stream.linear.scatter [tilespmem:s28], [sflag:$0x9], $0x8, $0x38;
	[tilespmem:$0x900] =	vst v63  }
0xa9: {  	_ =	swait.ge [sflag:s29], $0x8  }
0xaa: {  	[sflag:s29] =	ssyncset.done $0x0  }
0xab: {  	s30 =	simm.s32 $0x800;
	[sflag:s29] =	ssyncadd.s32 $0xFFFFFFF8  }
0xac: {  	[tilespmem:s30], [sflag:$0x9] =	stream.linear.gather [hbm4b:s4+s5], $0x80, $0x38;
	[tilespmem:$0x900] =	vst v63  }
0xad: {  	_ =	swait.ge [sflag:s29], $0x80  }
0xae: {  	[sflag:s29] =	ssyncset.done $0x0  }
0xaf: {  	[sflag:s29] =	ssyncadd.s32 $0xFFFFFF80  }
0xb0: {  	[hbm4b:s2+s5] =	stream.linear.scatter [tilespmem:s30], [sflag:$0x9], $0x8, $0x38;
	[tilespmem:$0x900] =	vst v63  }
0xb1: {  	_ =	swait.ge [sflag:s29], $0x8  }
0xb2: {  	[sflag:s29] =	ssyncset.done $0x0  }
0xb3: {  	[sflag:s29] =	ssyncadd.s32 $0xFFFFFFF8  }
0xb4: {  	v62 =	vld [tilespmem:$0x800];
	_ =	sdelay $0x4  }
0xb5: {  	v0 =	vmul.f32 v62, v0;
	_ =	sdelay $0x1  }
0xb6: {  	(xrf2) =	vadd.scan.msk.f32 $0xffff, v0;
	_ =	sdelay $0x9  }
0xb7: {  	v0, _, _ =	vpop (xrf2)  }
0xb8: {  	(v2sf) =	vpush v0, $0xF;
	_ =	sdelay $0xe  }
0xb9: {  	s31 =	spop (v2sf)  }
0xba: {  	s2 =	smul.f32 $8.000000110e-01, s31;
	_ =	sdelay $0x1  }
0xbb: {  	v63 =	vmov s2  }
0xbc: {  	[tilespmem:$0x880] =	vst v63  }
0xbd: {  	[hbm4b:s1+s5] =	stream.linear.scatter [tilespmem:s28], [sflag:$0x9], $0x8, $0x38;
	[tilespmem:$0x900] =	vst v63  }
0xbe: {  	_ =	swait.ge [sflag:s29], $0x8  }
0xbf: {  	[sflag:s29] =	ssyncset.done $0x0  }
0xc0: {  	[sflag:s29] =	ssyncadd.s32 $0xFFFFFFF8  }
0xc1: {  	_ =	sfence.sel $0x180000  }
0xc2: {  	[bflag:$0x0] =	sbarrier.arrive $0xFFFF  }
0xc3: {  	_ =	strace $0x90000047  }
0xc4: {  	s0 =	sadd.s32 $0x100000, s0;
	[bflag:$0x2] =	sbarrier.arrive $0xFFFF  }
0xc5: {  	[sflag:s0] =	ssyncadd.tile.s32 $0x1;
	_ =	shalt  }
.Lfunc_end2:
_tile_overlayer_lowered:
.L_overlay_start_2:
0xc6: {  	(tag) =	ssettag $0x2  }
0xc7: {  	s0 =	rddreg [dreg:$0x0];
	s2 =	stileid.u32  }
0xc8: {  	s1 =	rddreg [dreg:$0x1];
	p0 =	sne.s32 s2, $0x0  }
0xc9: {  	s3 =	rddreg [dreg:$0x2];
	[bflag:$0x3] =	sbarrier.arrive $0xFFFF;
	s2 =	simm.s32 @!p0 $0x1C01  }
0xca: {  	[timem:s3], [sflag:s2] =	dma.local @!p0 [hbm:s0], s1  }
0xcb: {  	s0 =	simm.s32 @!p0 $0x1  }
0xcc: {  	_ =	swait.ge @!p0 [sflag:s0], s1  }
0xcd: {  	s1 =	ssub.s32 @!p0 $0x0, s1;
	[sflag:s0] =	ssyncset.done @!p0 $0x0  }
0xce: {  	[sflag:s0] =	ssyncadd.s32 @!p0 s1  }
0xcf: {  	[bflag:$0x3] =	sbarrier.arrive $0xFFFF  }
0xd0: {  	_ =	shalt  }

</sc_bundles>
